<compile_context>
chip_gen: v7x
topology: tpu7x:2x2x1
jax: 0.10.2.dev20260603
libtpu: 0.0.44.dev20260713+nightly
codegen_flags: <defaults>
</compile_context>

<pallas_src>
import functools
import jax
import jax.numpy as jnp
from jax import lax
from jax.experimental import pallas as pl
from jax.experimental.pallas import tpu as pltpu
from jax.experimental.pallas import tpu_sc as plsc

NC, NS, L = 2, 16, 16
NW = NC * NS
B = 16384
V = 100001
UD = 32
SD = 8
OD = UD + 2 * SD
CHUNK = 4096
N_CH = B // CHUNK
HALF = B // 2
STAGE = V + 7
JB = 128
TI = OD // 8
TJ = B // JB

_mesh = plsc.VectorSubcoreMesh(core_axis_name="c", subcore_axis_name="s")


@functools.partial(
    pl.kernel,
    out_type=jax.ShapeDtypeStruct((TI, TJ, 8, JB), jnp.float32),
    mesh=_mesh,
    compiler_params=pltpu.CompilerParams(use_tc_tiling_on_sc=False,
                                         needs_layout_passes=False),
    scratch_types=[
        pltpu.VMEM((STAGE,), jnp.float32),
        pltpu.VMEM((2 * CHUNK,), jnp.int32),
        pltpu.VMEM((HALF,), jnp.int32),
        pltpu.VMEM((64, JB), jnp.float32),
        pltpu.VMEM((3, SD), jnp.float32),
        pltpu.VMEM((22, SD), jnp.float32),
        pltpu.SemaphoreType.DMA,
        pltpu.SemaphoreType.DMA,
        pltpu.SemaphoreType.DMA,
        pltpu.SemaphoreType.DMA,
        pltpu.SemaphoreType.DMA,
    ],
)
def _user_model_sc(uid_hbm, gid_hbm, oid_hbm, utabf_hbm, gtab_hbm, otab_hbm,
                   out_hbm, row_v, idx_v, sidx_v, obuf_v, gt_v, ot_v,
                   sem_row, sem_u0, sem_u1, sem_s, sem_o):
    wid = lax.axis_index("s") * NC + lax.axis_index("c")
    sems_u = (sem_u0, sem_u1)

    row_begin = wid * V
    start = pl.multiple_of((row_begin // 8) * 8, 8)
    misal = row_begin - start
    cp_row = pltpu.async_copy(utabf_hbm.at[pl.ds(start, STAGE)], row_v,
                              sem_row)

    cp_u = [None] * N_CH
    for k in range(2):
        cp_u[k] = pltpu.async_copy(uid_hbm.at[pl.ds(k * CHUNK, CHUNK)],
                                   idx_v.at[pl.ds(k * CHUNK, CHUNK)],
                                   sems_u[k])

    d = wid % 16
    col0 = (wid // 16) * HALF
    j0 = (wid // 16) * (HALF // JB)
    cp_gt = pltpu.async_copy(gtab_hbm, gt_v, sem_s)
    cp_ot = pltpu.async_copy(otab_hbm, ot_v, sem_s)

    def small(src_hbm, tab_v, dim):
        cp_si = pltpu.async_copy(src_hbm.at[pl.ds(col0, HALF)], sidx_v, sem_s)
        cp_gt.wait()
        cp_ot.wait()
        cp_si.wait()
        dvec = jnp.broadcast_to(dim, (L,))

        @plsc.parallel_loop(0, HALF // L, unroll=8)
        def body(m):
            ids = sidx_v[pl.ds(m * L, L)]
            obuf_v[m // 8, pl.ds((m % 8) * L, L)] = plsc.load_gather(
                tab_v, [ids, dvec])

    @pl.when(d < SD)
    def _gender():
        small(gid_hbm, gt_v, d)

    @pl.when(d >= SD)
    def _occ():
        small(oid_hbm, ot_v, d - SD)

    r = UD + d
    cp_so = [
        pltpu.async_copy(obuf_v.at[pl.ds(h * 32, 32)],
                         out_hbm.at[r // 8, pl.ds(j0 + h * 32, 32), r % 8],
                         sem_o)
        for h in range(2)
    ]

    cp_row.wait()
    cp_o = [None] * N_CH
    for k in range(N_CH):
        p = k % 2
        cp_u[k].wait()
        if k < 2:
            cp_so[k].wait()
        else:
            cp_o[k - 2].wait()

        @plsc.parallel_loop(0, CHUNK // L, unroll=8)
        def mbody(m):
            ids = idx_v[pl.ds(p * CHUNK + m * L, L)] + misal
            obuf_v[p * 32 + m // 8, pl.ds((m % 8) * L, L)] = (
                plsc.load_gather(row_v, [ids]))

        cp_o[k] = pltpu.async_copy(
            obuf_v.at[pl.ds(p * 32, 32)],
            out_hbm.at[wid // 8, pl.ds(k * 32, 32), wid % 8], sem_o)
        if k + 2 < N_CH:
            cp_u[k + 2] = pltpu.async_copy(
                uid_hbm.at[pl.ds((k + 2) * CHUNK, CHUNK)],
                idx_v.at[pl.ds(p * CHUNK, CHUNK)], sems_u[p])
    cp_o[N_CH - 2].wait()
    cp_o[N_CH - 1].wait()


def kernel(user_id, gender, occupation, user_table, gender_table,
           occupation_table):
    utab_flat = user_table.T.reshape(UD * V)
    out4 = _user_model_sc(user_id, gender, occupation, utab_flat,
                          gender_table, occupation_table)
    return out4.transpose(1, 3, 0, 2).reshape(B, OD)

# --- scband reference (transcript-rebuilt; emitter-appended) ---
"""Pipeline reference for scband-user-model-24678882083412 (READ-ONLY COPY).

The authoritative reference and input builder live on the scoring server;
editing this copy changes nothing except your own understanding.
"""

import jax, jax.numpy as jnp
import numpy as np

NUM_USERS = 100000
NUM_GENDERS = 2
NUM_OCCUPATIONS = 21
BATCH = 16384

def setup_inputs(seed: int = 0) -> dict:
    key = jax.random.key(seed)
    k1, k2, k3, k4, k5, k6 = jax.random.split(key, 6)
    # StringLookup maps strings -> integer ids in [0, vocab]; we model post-lookup int ids.
    user_id = jax.random.randint(k1, (BATCH,), 0, NUM_USERS + 1, dtype=jnp.int64 if jax.config.read('jax_enable_x64') else jnp.int32).astype(jnp.int32)
    gender = jax.random.randint(k2, (BATCH,), 0, NUM_GENDERS + 1).astype(jnp.int32)
    occupation = jax.random.randint(k3, (BATCH,), 0, NUM_OCCUPATIONS + 1).astype(jnp.int32)
    # Embedding tables: Keras Embedding(vocab+1, dim), default uniform init
    user_table = jax.random.uniform(k4, (NUM_USERS + 1, 32), minval=-0.05, maxval=0.05, dtype=jnp.float32)
    gender_table = jax.random.uniform(k5, (NUM_GENDERS + 1, 8), minval=-0.05, maxval=0.05, dtype=jnp.float32)
    occupation_table = jax.random.uniform(k6, (NUM_OCCUPATIONS + 1, 8), minval=-0.05, maxval=0.05, dtype=jnp.float32)
    return {
        'user_id': user_id,
        'gender': gender,
        'occupation': occupation,
        'user_table': user_table,
        'gender_table': gender_table,
        'occupation_table': occupation_table,
    }

def reference(user_id, gender, occupation, user_table, gender_table, occupation_table):
    # Faithful translation of UserModel.call: three embedding lookups + concat on axis=1
    user_emb = jnp.take(user_table, user_id, axis=0)          # [B, 32]
    gender_emb = jnp.take(gender_table, gender, axis=0)       # [B, 8]
    occ_emb = jnp.take(occupation_table, occupation, axis=0)  # [B, 8]
    return jnp.concatenate([user_emb, gender_emb, occ_emb], axis=1)  # [B, 48]

if __name__ == "__main__":
    import jax
    _d = setup_inputs()
    print(jax.jit(kernel)(*tuple(_d.values())))

</pallas_src>

<mosaic_0001>
#map = affine_map<(d0, d1) -> (0)>
#map1 = affine_map<(d0, d1) -> (0, 0)>
#map2 = affine_map<(d0, d1) -> (0, 0, 0, 0)>
module attributes {stable_mosaic.version = 14 : i64} {
  func.func @_user_model_sc(%arg0: i32, %arg1: i32, %arg2: memref<16384xi32, #tpu.memory_space<hbm>>, %arg3: memref<16384xi32, #tpu.memory_space<hbm>>, %arg4: memref<16384xi32, #tpu.memory_space<hbm>>, %arg5: memref<3200032xf32, #tpu.memory_space<hbm>>, %arg6: memref<3x8xf32, #tpu.memory_space<hbm>>, %arg7: memref<22x8xf32, #tpu.memory_space<hbm>>, %arg8: memref<6x128x8x128xf32, #tpu.memory_space<hbm>>, %arg9: memref<100008xf32, #tpu.memory_space<vmem>>, %arg10: memref<8192xi32, #tpu.memory_space<vmem>>, %arg11: memref<8192xi32, #tpu.memory_space<vmem>>, %arg12: memref<64x128xf32, #tpu.memory_space<vmem>>, %arg13: memref<3x8xf32, #tpu.memory_space<vmem>>, %arg14: memref<22x8xf32, #tpu.memory_space<vmem>>, %arg15: memref<!tpu.dma_semaphore, #tpu.memory_space<semaphore_mem>>, %arg16: memref<!tpu.dma_semaphore, #tpu.memory_space<semaphore_mem>>, %arg17: memref<!tpu.dma_semaphore, #tpu.memory_space<semaphore_mem>>, %arg18: memref<!tpu.dma_semaphore, #tpu.memory_space<semaphore_mem>>, %arg19: memref<!tpu.dma_semaphore, #tpu.memory_space<semaphore_mem>>) attributes {dimension_semantics = [#tpu.dimension_semantics<core_parallel>, #tpu.dimension_semantics<subcore_parallel>], iteration_bounds = array<i64: 2, 16>, scalar_prefetch = 0 : i64, scratch_operands = 11 : i64, tpu.core_type = #tpu.core_type<sc_vector_subcore>, window_params = [{transform_indices = #map}, {transform_indices = #map}, {transform_indices = #map}, {transform_indices = #map}, {transform_indices = #map1}, {transform_indices = #map1}, {transform_indices = #map2}]} {
    %mul3A = arith.constant 2 : i32
    %mul3A_0 = arith.muli %arg1, %mul3A : i32
    %add3A = arith.addi %mul3A_0, %arg0 : i32
    %mul3A_1 = arith.constant 100001 : i32
    %mul3A_2 = arith.muli %add3A, %mul3A_1 : i32
    %jit3A = arith.constant 8 : i32
    %div3A = arith.divsi %mul3A_2, %jit3A : i32
    %sign3A = arith.constant 0 : i32
    %sign3A_3 = arith.cmpi sgt, %mul3A_2, %sign3A : i32
    %sign3A_4 = arith.extui %sign3A_3 : i1 to i32
    %sign3A_5 = arith.constant 0 : i32
    %sign3A_6 = arith.cmpi slt, %mul3A_2, %sign3A_5 : i32
    %sign3A_7 = arith.extui %sign3A_6 : i1 to i32
    %sign3A_8 = arith.subi %sign3A_4, %sign3A_7 : i32
    %sign3A_9 = arith.constant 0 : i32
    %sign3A_10 = arith.cmpi sgt, %jit3A, %sign3A_9 : i32
    %sign3A_11 = arith.extui %sign3A_10 : i1 to i32
    %sign3A_12 = arith.constant 0 : i32
    %sign3A_13 = arith.cmpi slt, %jit3A, %sign3A_12 : i32
    %sign3A_14 = arith.extui %sign3A_13 : i1 to i32
    %sign3A_15 = arith.subi %sign3A_11, %sign3A_14 : i32
    %ne3A = arith.cmpi ne, %sign3A_8, %sign3A_15 : i32
    %rem3A = arith.remsi %mul3A_2, %jit3A : i32
    %ne3A_16 = arith.constant 0 : i32
    %ne3A_17 = arith.cmpi ne, %rem3A, %ne3A_16 : i32
    %and3A = arith.andi %ne3A, %ne3A_17 : i1
    %sub3A = arith.constant 1 : i32
    %sub3A_18 = arith.subi %div3A, %sub3A : i32
    %select_n3A = arith.select %and3A, %sub3A_18, %div3A : i32
    %mul3A_19 = arith.constant 8 : i32
    %mul3A_20 = arith.muli %select_n3A, %mul3A_19 : i32
    %multiple_of3A = tpu.assume_multiple %mul3A_20, 8 : i32
    %sub3A_21 = arith.subi %mul3A_2, %multiple_of3A : i32
    %dma_start3A = tpu.memref_slice %arg5[%multiple_of3A] : memref<3200032xf32, #tpu.memory_space<hbm>> -> memref<100008xf32, #tpu.memory_space<hbm>>
    %dma_start3A_22 = tpu.memref_slice %arg5[%multiple_of3A] : memref<3200032xf32, #tpu.memory_space<hbm>> -> memref<100008xf32, #tpu.memory_space<hbm>>
    tpu.enqueue_dma source(%dma_start3A_22 : memref<100008xf32, #tpu.memory_space<hbm>>) target(%arg9 : memref<100008xf32, #tpu.memory_space<vmem>>) target_semaphore(%arg15 : memref<!tpu.dma_semaphore, #tpu.memory_space<semaphore_mem>>)
    %dma_start3A_23 = arith.constant 0 : i32
    %dma_start3A_24 = tpu.memref_slice %arg10[%dma_start3A_23] : memref<8192xi32, #tpu.memory_space<vmem>> -> memref<4096xi32, #tpu.memory_space<vmem>>
    %dma_start3A_25 = arith.constant 0 : i32
    %dma_start3A_26 = tpu.memref_slice %arg2[%dma_start3A_25] : memref<16384xi32, #tpu.memory_space<hbm>> -> memref<4096xi32, #tpu.memory_space<hbm>>
    %dma_start3A_27 = arith.constant 0 : i32
    %dma_start3A_28 = tpu.memref_slice %arg10[%dma_start3A_27] : memref<8192xi32, #tpu.memory_space<vmem>> -> memref<4096xi32, #tpu.memory_space<vmem>>
    %dma_start3A_29 = arith.constant 0 : i32
    %dma_start3A_30 = tpu.memref_slice %arg2[%dma_start3A_29] : memref<16384xi32, #tpu.memory_space<hbm>> -> memref<4096xi32, #tpu.memory_space<hbm>>
    tpu.enqueue_dma source(%dma_start3A_30 : memref<4096xi32, #tpu.memory_space<hbm>>) target(%dma_start3A_28 : memref<4096xi32, #tpu.memory_space<vmem>>) target_semaphore(%arg16 : memref<!tpu.dma_semaphore, #tpu.memory_space<semaphore_mem>>)
    %dma_start3A_31 = arith.constant 4096 : i32
    %dma_start3A_32 = tpu.memref_slice %arg10[%dma_start3A_31] : memref<8192xi32, #tpu.memory_space<vmem>> -> memref<4096xi32, #tpu.memory_space<vmem>>
    %dma_start3A_33 = arith.constant 4096 : i32
    %dma_start3A_34 = tpu.memref_slice %arg2[%dma_start3A_33] : memref<16384xi32, #tpu.memory_space<hbm>> -> memref<4096xi32, #tpu.memory_space<hbm>>
    %dma_start3A_35 = arith.constant 4096 : i32
    %dma_start3A_36 = tpu.memref_slice %arg10[%dma_start3A_35] : memref<8192xi32, #tpu.memory_space<vmem>> -> memref<4096xi32, #tpu.memory_space<vmem>>
    %dma_start3A_37 = arith.constant 4096 : i32
    %dma_start3A_38 = tpu.memref_slice %arg2[%dma_start3A_37] : memref<16384xi32, #tpu.memory_space<hbm>> -> memref<4096xi32, #tpu.memory_space<hbm>>
    tpu.enqueue_dma source(%dma_start3A_38 : memref<4096xi32, #tpu.memory_space<hbm>>) target(%dma_start3A_36 : memref<4096xi32, #tpu.memory_space<vmem>>) target_semaphore(%arg17 : memref<!tpu.dma_semaphore, #tpu.memory_space<semaphore_mem>>)
    %jit3A_39 = arith.constant 16 : i32
    %eq3A = arith.constant 0 : i32
    %eq3A_40 = arith.cmpi eq, %jit3A_39, %eq3A : i32
    %jit3A_41 = arith.constant 1 : i32
    %select_n3A_42 = arith.select %eq3A_40, %jit3A_41, %jit3A_39 : i32
    %rem3A_43 = arith.remsi %add3A, %select_n3A_42 : i32
    %ne3A_44 = arith.constant 0 : i32
    %ne3A_45 = arith.cmpi ne, %rem3A_43, %ne3A_44 : i32
    %lt3A = arith.constant 0 : i32
    %lt3A_46 = arith.cmpi slt, %rem3A_43, %lt3A : i32
    %lt3A_47 = arith.constant 0 : i32
    %lt3A_48 = arith.cmpi slt, %select_n3A_42, %lt3A_47 : i32
    %ne3A_49 = arith.xori %lt3A_46, %lt3A_48 : i1
    %and3A_50 = arith.andi %ne3A_49, %ne3A_45 : i1
    %add3A_51 = arith.addi %rem3A_43, %select_n3A_42 : i32
    %select_n3A_52 = arith.select %and3A_50, %add3A_51, %rem3A_43 : i32
    %jit3A_53 = arith.constant 16 : i32
    %div3A_54 = arith.divsi %add3A, %jit3A_53 : i32
    %sign3A_55 = arith.constant 0 : i32
    %sign3A_56 = arith.cmpi sgt, %add3A, %sign3A_55 : i32
    %sign3A_57 = arith.extui %sign3A_56 : i1 to i32
    %sign3A_58 = arith.constant 0 : i32
    %sign3A_59 = arith.cmpi slt, %add3A, %sign3A_58 : i32
    %sign3A_60 = arith.extui %sign3A_59 : i1 to i32
    %sign3A_61 = arith.subi %sign3A_57, %sign3A_60 : i32
    %sign3A_62 = arith.constant 0 : i32
    %sign3A_63 = arith.cmpi sgt, %jit3A_53, %sign3A_62 : i32
    %sign3A_64 = arith.extui %sign3A_63 : i1 to i32
    %sign3A_65 = arith.constant 0 : i32
    %sign3A_66 = arith.cmpi slt, %jit3A_53, %sign3A_65 : i32
    %sign3A_67 = arith.extui %sign3A_66 : i1 to i32
    %sign3A_68 = arith.subi %sign3A_64, %sign3A_67 : i32
    %ne3A_69 = arith.cmpi ne, %sign3A_61, %sign3A_68 : i32
    %rem3A_70 = arith.remsi %add3A, %jit3A_53 : i32
    %ne3A_71 = arith.constant 0 : i32
    %ne3A_72 = arith.cmpi ne, %rem3A_70, %ne3A_71 : i32
    %and3A_73 = arith.andi %ne3A_69, %ne3A_72 : i1
    %sub3A_74 = arith.constant 1 : i32
    %sub3A_75 = arith.subi %div3A_54, %sub3A_74 : i32
    %select_n3A_76 = arith.select %and3A_73, %sub3A_75, %div3A_54 : i32
    %mul3A_77 = arith.constant 8192 : i32
    %mul3A_78 = arith.muli %select_n3A_76, %mul3A_77 : i32
    %jit3A_79 = arith.constant 16 : i32
    %div3A_80 = arith.divsi %add3A, %jit3A_79 : i32
    %sign3A_81 = arith.constant 0 : i32
    %sign3A_82 = arith.cmpi sgt, %add3A, %sign3A_81 : i32
    %sign3A_83 = arith.extui %sign3A_82 : i1 to i32
    %sign3A_84 = arith.constant 0 : i32
    %sign3A_85 = arith.cmpi slt, %add3A, %sign3A_84 : i32
    %sign3A_86 = arith.extui %sign3A_85 : i1 to i32
    %sign3A_87 = arith.subi %sign3A_83, %sign3A_86 : i32
    %sign3A_88 = arith.constant 0 : i32
    %sign3A_89 = arith.cmpi sgt, %jit3A_79, %sign3A_88 : i32
    %sign3A_90 = arith.extui %sign3A_89 : i1 to i32
    %sign3A_91 = arith.constant 0 : i32
    %sign3A_92 = arith.cmpi slt, %jit3A_79, %sign3A_91 : i32
    %sign3A_93 = arith.extui %sign3A_92 : i1 to i32
    %sign3A_94 = arith.subi %sign3A_90, %sign3A_93 : i32
    %ne3A_95 = arith.cmpi ne, %sign3A_87, %sign3A_94 : i32
    %rem3A_96 = arith.remsi %add3A, %jit3A_79 : i32
    %ne3A_97 = arith.constant 0 : i32
    %ne3A_98 = arith.cmpi ne, %rem3A_96, %ne3A_97 : i32
    %and3A_99 = arith.andi %ne3A_95, %ne3A_98 : i1
    %sub3A_100 = arith.constant 1 : i32
    %sub3A_101 = arith.subi %div3A_80, %sub3A_100 : i32
    %select_n3A_102 = arith.select %and3A_99, %sub3A_101, %div3A_80 : i32
    %mul3A_103 = arith.constant 64 : i32
    %mul3A_104 = arith.muli %select_n3A_102, %mul3A_103 : i32
    tpu.enqueue_dma source(%arg6 : memref<3x8xf32, #tpu.memory_space<hbm>>) target(%arg13 : memref<3x8xf32, #tpu.memory_space<vmem>>) target_semaphore(%arg18 : memref<!tpu.dma_semaphore, #tpu.memory_space<semaphore_mem>>)
    tpu.enqueue_dma source(%arg7 : memref<22x8xf32, #tpu.memory_space<hbm>>) target(%arg14 : memref<22x8xf32, #tpu.memory_space<vmem>>) target_semaphore(%arg18 : memref<!tpu.dma_semaphore, #tpu.memory_space<semaphore_mem>>)
    %lt3A_105 = arith.constant 8 : i32
    %lt3A_106 = arith.cmpi slt, %select_n3A_52, %lt3A_105 : i32
    %convert_element_type3A = arith.extui %lt3A_106 : i1 to i32
    %cond3A = arith.constant 0 : i32
    %cond3A_107 = arith.cmpi ne, %convert_element_type3A, %cond3A : i32
    scf.if %cond3A_107 {
      %dma_start3A_578 = tpu.memref_slice %arg3[%mul3A_78] : memref<16384xi32, #tpu.memory_space<hbm>> -> memref<8192xi32, #tpu.memory_space<hbm>>
      %dma_start3A_579 = tpu.memref_slice %arg3[%mul3A_78] : memref<16384xi32, #tpu.memory_space<hbm>> -> memref<8192xi32, #tpu.memory_space<hbm>>
      tpu.enqueue_dma source(%dma_start3A_579 : memref<8192xi32, #tpu.memory_space<hbm>>) target(%arg11 : memref<8192xi32, #tpu.memory_space<vmem>>) target_semaphore(%arg18 : memref<!tpu.dma_semaphore, #tpu.memory_space<semaphore_mem>>)
      tpu.wait_dma2 semaphore(%arg18 : memref<!tpu.dma_semaphore, #tpu.memory_space<semaphore_mem>>) src(%arg6 : memref<3x8xf32, #tpu.memory_space<hbm>>) dst(%arg13 : memref<3x8xf32, #tpu.memory_space<vmem>>)
      tpu.wait_dma2 semaphore(%arg18 : memref<!tpu.dma_semaphore, #tpu.memory_space<semaphore_mem>>) src(%arg7 : memref<22x8xf32, #tpu.memory_space<hbm>>) dst(%arg14 : memref<22x8xf32, #tpu.memory_space<vmem>>)
      %dma_wait3A_580 = tpu.memref_slice %arg3[%mul3A_78] : memref<16384xi32, #tpu.memory_space<hbm>> -> memref<8192xi32, #tpu.memory_space<hbm>>
      %dma_wait3A_581 = tpu.memref_slice %arg3[%mul3A_78] : memref<16384xi32, #tpu.memory_space<hbm>> -> memref<8192xi32, #tpu.memory_space<hbm>>
      tpu.wait_dma2 semaphore(%arg18 : memref<!tpu.dma_semaphore, #tpu.memory_space<semaphore_mem>>) src(%dma_wait3A_581 : memref<8192xi32, #tpu.memory_space<hbm>>) dst(%arg11 : memref<8192xi32, #tpu.memory_space<vmem>>)
      %broadcast_in_dim3A = vector.broadcast %select_n3A_52 : i32 to vector<16xi32>
      %parallel_loop3A_582 = arith.constant 0 : i32
      %parallel_loop3A_583 = arith.constant 512 : i32
      %parallel_loop3A_584 = arith.constant 1 : i32
      scf.for %parallel_loop3A_585 = %parallel_loop3A_582 to %parallel_loop3A_583 step %parallel_loop3A_584  : i32 {
        %parallel_loop3A_586 = arith.constant 16 : i32
        %parallel_loop3A_587 = arith.muli %parallel_loop3A_585, %parallel_loop3A_586 : i32
        %parallel_loop3A_588 = arith.index_cast %parallel_loop3A_587 : i32 to index
        %parallel_loop3A_589 = tpu.vector_load %arg11[%parallel_loop3A_588] {strides = array<i32>} : memref<8192xi32, #tpu.memory_space<vmem>>, vector<16xi32>,
        %parallel_loop3A_590 = tpu.vector_load_idx %arg13[%parallel_loop3A_589, %broadcast_in_dim3A] : memref<3x8xf32, #tpu.memory_space<vmem>>[vector<16xi32>, vector<16xi32>], vector<16xf32>,
        %parallel_loop3A_591 = arith.constant 8 : i32
        %parallel_loop3A_592 = arith.divsi %parallel_loop3A_585, %parallel_loop3A_591 : i32
        %parallel_loop3A_593 = arith.constant 0 : i32
        %parallel_loop3A_594 = arith.cmpi sgt, %parallel_loop3A_585, %parallel_loop3A_593 : i32
        %parallel_loop3A_595 = arith.extui %parallel_loop3A_594 : i1 to i32
        %parallel_loop3A_596 = arith.constant 0 : i32
        %parallel_loop3A_597 = arith.cmpi slt, %parallel_loop3A_585, %parallel_loop3A_596 : i32
        %parallel_loop3A_598 = arith.extui %parallel_loop3A_597 : i1 to i32
        %parallel_loop3A_599 = arith.subi %parallel_loop3A_595, %parallel_loop3A_598 : i32
        %parallel_loop3A_600 = arith.constant 0 : i32
        %parallel_loop3A_601 = arith.cmpi sgt, %parallel_loop3A_591, %parallel_loop3A_600 : i32
        %parallel_loop3A_602 = arith.extui %parallel_loop3A_601 : i1 to i32
        %parallel_loop3A_603 = arith.constant 0 : i32
        %parallel_loop3A_604 = arith.cmpi slt, %parallel_loop3A_591, %parallel_loop3A_603 : i32
        %parallel_loop3A_605 = arith.extui %parallel_loop3A_604 : i1 to i32
        %parallel_loop3A_606 = arith.subi %parallel_loop3A_602, %parallel_loop3A_605 : i32
        %parallel_loop3A_607 = arith.cmpi ne, %parallel_loop3A_599, %parallel_loop3A_606 : i32
        %parallel_loop3A_608 = arith.remsi %parallel_loop3A_585, %parallel_loop3A_591 : i32
        %parallel_loop3A_609 = arith.constant 0 : i32
        %parallel_loop3A_610 = arith.cmpi ne, %parallel_loop3A_608, %parallel_loop3A_609 : i32
        %parallel_loop3A_611 = arith.andi %parallel_loop3A_607, %parallel_loop3A_610 : i1
        %parallel_loop3A_612 = arith.constant 1 : i32
        %parallel_loop3A_613 = arith.subi %parallel_loop3A_592, %parallel_loop3A_612 : i32
        %parallel_loop3A_614 = arith.select %parallel_loop3A_611, %parallel_loop3A_613, %parallel_loop3A_592 : i32
        %parallel_loop3A_615 = arith.constant 8 : i32
        %parallel_loop3A_616 = arith.constant 0 : i32
        %parallel_loop3A_617 = arith.cmpi eq, %parallel_loop3A_615, %parallel_loop3A_616 : i32
        %parallel_loop3A_618 = arith.constant 1 : i32
        %parallel_loop3A_619 = arith.select %parallel_loop3A_617, %parallel_loop3A_618, %parallel_loop3A_615 : i32
        %parallel_loop3A_620 = arith.remsi %parallel_loop3A_585, %parallel_loop3A_619 : i32
        %parallel_loop3A_621 = arith.constant 0 : i32
        %parallel_loop3A_622 = arith.cmpi ne, %parallel_loop3A_620, %parallel_loop3A_621 : i32
        %parallel_loop3A_623 = arith.constant 0 : i32
        %parallel_loop3A_624 = arith.cmpi slt, %parallel_loop3A_620, %parallel_loop3A_623 : i32
        %parallel_loop3A_625 = arith.constant 0 : i32
        %parallel_loop3A_626 = arith.cmpi slt, %parallel_loop3A_619, %parallel_loop3A_625 : i32
        %parallel_loop3A_627 = arith.xori %parallel_loop3A_624, %parallel_loop3A_626 : i1
        %parallel_loop3A_628 = arith.andi %parallel_loop3A_627, %parallel_loop3A_622 : i1
        %parallel_loop3A_629 = arith.addi %parallel_loop3A_620, %parallel_loop3A_619 : i32
        %parallel_loop3A_630 = arith.select %parallel_loop3A_628, %parallel_loop3A_629, %parallel_loop3A_620 : i32
        %parallel_loop3A_631 = arith.constant 16 : i32
        %parallel_loop3A_632 = arith.muli %parallel_loop3A_630, %parallel_loop3A_631 : i32
        %parallel_loop3A_633 = arith.index_cast %parallel_loop3A_614 : i32 to index
        %parallel_loop3A_634 = arith.index_cast %parallel_loop3A_632 : i32 to index
        %parallel_loop3A_635 = tpu.vector_load %arg12[%parallel_loop3A_633, %parallel_loop3A_634] {strides = array<i32>} : memref<64x128xf32, #tpu.memory_space<vmem>>, vector<16xf32>,
        tpu.vector_store %arg12[%parallel_loop3A_633, %parallel_loop3A_634], %parallel_loop3A_590 {strides = array<i32>} : memref<64x128xf32, #tpu.memory_space<vmem>>, vector<16xf32>,
      } {sc.loop_unroll_factor = 8 : i64, sc.parallel_access}
    } else {
    }
    %ge3A = arith.constant 8 : i32
    %ge3A_108 = arith.cmpi sge, %select_n3A_52, %ge3A : i32
    %convert_element_type3A_109 = arith.extui %ge3A_108 : i1 to i32
    %cond3A_110 = arith.constant 0 : i32
    %cond3A_111 = arith.cmpi ne, %convert_element_type3A_109, %cond3A_110 : i32
    scf.if %cond3A_111 {
      %sub3A_578 = arith.constant 8 : i32
      %sub3A_579 = arith.subi %select_n3A_52, %sub3A_578 : i32
      %dma_start3A_580 = tpu.memref_slice %arg4[%mul3A_78] : memref<16384xi32, #tpu.memory_space<hbm>> -> memref<8192xi32, #tpu.memory_space<hbm>>
      %dma_start3A_581 = tpu.memref_slice %arg4[%mul3A_78] : memref<16384xi32, #tpu.memory_space<hbm>> -> memref<8192xi32, #tpu.memory_space<hbm>>
      tpu.enqueue_dma source(%dma_start3A_581 : memref<8192xi32, #tpu.memory_space<hbm>>) target(%arg11 : memref<8192xi32, #tpu.memory_space<vmem>>) target_semaphore(%arg18 : memref<!tpu.dma_semaphore, #tpu.memory_space<semaphore_mem>>)
      tpu.wait_dma2 semaphore(%arg18 : memref<!tpu.dma_semaphore, #tpu.memory_space<semaphore_mem>>) src(%arg6 : memref<3x8xf32, #tpu.memory_space<hbm>>) dst(%arg13 : memref<3x8xf32, #tpu.memory_space<vmem>>)
      tpu.wait_dma2 semaphore(%arg18 : memref<!tpu.dma_semaphore, #tpu.memory_space<semaphore_mem>>) src(%arg7 : memref<22x8xf32, #tpu.memory_space<hbm>>) dst(%arg14 : memref<22x8xf32, #tpu.memory_space<vmem>>)
      %dma_wait3A_582 = tpu.memref_slice %arg4[%mul3A_78] : memref<16384xi32, #tpu.memory_space<hbm>> -> memref<8192xi32, #tpu.memory_space<hbm>>
      %dma_wait3A_583 = tpu.memref_slice %arg4[%mul3A_78] : memref<16384xi32, #tpu.memory_space<hbm>> -> memref<8192xi32, #tpu.memory_space<hbm>>
      tpu.wait_dma2 semaphore(%arg18 : memref<!tpu.dma_semaphore, #tpu.memory_space<semaphore_mem>>) src(%dma_wait3A_583 : memref<8192xi32, #tpu.memory_space<hbm>>) dst(%arg11 : memref<8192xi32, #tpu.memory_space<vmem>>)
      %broadcast_in_dim3A = vector.broadcast %sub3A_579 : i32 to vector<16xi32>
      %parallel_loop3A_584 = arith.constant 0 : i32
      %parallel_loop3A_585 = arith.constant 512 : i32
      %parallel_loop3A_586 = arith.constant 1 : i32
      scf.for %parallel_loop3A_587 = %parallel_loop3A_584 to %parallel_loop3A_585 step %parallel_loop3A_586  : i32 {
        %parallel_loop3A_588 = arith.constant 16 : i32
        %parallel_loop3A_589 = arith.muli %parallel_loop3A_587, %parallel_loop3A_588 : i32
        %parallel_loop3A_590 = arith.index_cast %parallel_loop3A_589 : i32 to index
        %parallel_loop3A_591 = tpu.vector_load %arg11[%parallel_loop3A_590] {strides = array<i32>} : memref<8192xi32, #tpu.memory_space<vmem>>, vector<16xi32>,
        %parallel_loop3A_592 = tpu.vector_load_idx %arg14[%parallel_loop3A_591, %broadcast_in_dim3A] : memref<22x8xf32, #tpu.memory_space<vmem>>[vector<16xi32>, vector<16xi32>], vector<16xf32>,
        %parallel_loop3A_593 = arith.constant 8 : i32
        %parallel_loop3A_594 = arith.divsi %parallel_loop3A_587, %parallel_loop3A_593 : i32
        %parallel_loop3A_595 = arith.constant 0 : i32
        %parallel_loop3A_596 = arith.cmpi sgt, %parallel_loop3A_587, %parallel_loop3A_595 : i32
        %parallel_loop3A_597 = arith.extui %parallel_loop3A_596 : i1 to i32
        %parallel_loop3A_598 = arith.constant 0 : i32
        %parallel_loop3A_599 = arith.cmpi slt, %parallel_loop3A_587, %parallel_loop3A_598 : i32
        %parallel_loop3A_600 = arith.extui %parallel_loop3A_599 : i1 to i32
        %parallel_loop3A_601 = arith.subi %parallel_loop3A_597, %parallel_loop3A_600 : i32
        %parallel_loop3A_602 = arith.constant 0 : i32
        %parallel_loop3A_603 = arith.cmpi sgt, %parallel_loop3A_593, %parallel_loop3A_602 : i32
        %parallel_loop3A_604 = arith.extui %parallel_loop3A_603 : i1 to i32
        %parallel_loop3A_605 = arith.constant 0 : i32
        %parallel_loop3A_606 = arith.cmpi slt, %parallel_loop3A_593, %parallel_loop3A_605 : i32
        %parallel_loop3A_607 = arith.extui %parallel_loop3A_606 : i1 to i32
        %parallel_loop3A_608 = arith.subi %parallel_loop3A_604, %parallel_loop3A_607 : i32
        %parallel_loop3A_609 = arith.cmpi ne, %parallel_loop3A_601, %parallel_loop3A_608 : i32
        %parallel_loop3A_610 = arith.remsi %parallel_loop3A_587, %parallel_loop3A_593 : i32
        %parallel_loop3A_611 = arith.constant 0 : i32
        %parallel_loop3A_612 = arith.cmpi ne, %parallel_loop3A_610, %parallel_loop3A_611 : i32
        %parallel_loop3A_613 = arith.andi %parallel_loop3A_609, %parallel_loop3A_612 : i1
        %parallel_loop3A_614 = arith.constant 1 : i32
        %parallel_loop3A_615 = arith.subi %parallel_loop3A_594, %parallel_loop3A_614 : i32
        %parallel_loop3A_616 = arith.select %parallel_loop3A_613, %parallel_loop3A_615, %parallel_loop3A_594 : i32
        %parallel_loop3A_617 = arith.constant 8 : i32
        %parallel_loop3A_618 = arith.constant 0 : i32
        %parallel_loop3A_619 = arith.cmpi eq, %parallel_loop3A_617, %parallel_loop3A_618 : i32
        %parallel_loop3A_620 = arith.constant 1 : i32
        %parallel_loop3A_621 = arith.select %parallel_loop3A_619, %parallel_loop3A_620, %parallel_loop3A_617 : i32
        %parallel_loop3A_622 = arith.remsi %parallel_loop3A_587, %parallel_loop3A_621 : i32
        %parallel_loop3A_623 = arith.constant 0 : i32
        %parallel_loop3A_624 = arith.cmpi ne, %parallel_loop3A_622, %parallel_loop3A_623 : i32
        %parallel_loop3A_625 = arith.constant 0 : i32
        %parallel_loop3A_626 = arith.cmpi slt, %parallel_loop3A_622, %parallel_loop3A_625 : i32
        %parallel_loop3A_627 = arith.constant 0 : i32
        %parallel_loop3A_628 = arith.cmpi slt, %parallel_loop3A_621, %parallel_loop3A_627 : i32
        %parallel_loop3A_629 = arith.xori %parallel_loop3A_626, %parallel_loop3A_628 : i1
        %parallel_loop3A_630 = arith.andi %parallel_loop3A_629, %parallel_loop3A_624 : i1
        %parallel_loop3A_631 = arith.addi %parallel_loop3A_622, %parallel_loop3A_621 : i32
        %parallel_loop3A_632 = arith.select %parallel_loop3A_630, %parallel_loop3A_631, %parallel_loop3A_622 : i32
        %parallel_loop3A_633 = arith.constant 16 : i32
        %parallel_loop3A_634 = arith.muli %parallel_loop3A_632, %parallel_loop3A_633 : i32
        %parallel_loop3A_635 = arith.index_cast %parallel_loop3A_616 : i32 to index
        %parallel_loop3A_636 = arith.index_cast %parallel_loop3A_634 : i32 to index
        %parallel_loop3A_637 = tpu.vector_load %arg12[%parallel_loop3A_635, %parallel_loop3A_636] {strides = array<i32>} : memref<64x128xf32, #tpu.memory_space<vmem>>, vector<16xf32>,
        tpu.vector_store %arg12[%parallel_loop3A_635, %parallel_loop3A_636], %parallel_loop3A_592 {strides = array<i32>} : memref<64x128xf32, #tpu.memory_space<vmem>>, vector<16xf32>,
      } {sc.loop_unroll_factor = 8 : i64, sc.parallel_access}
    } else {
    }
    %add3A_112 = arith.constant 32 : i32
    %add3A_113 = arith.addi %add3A_112, %select_n3A_52 : i32
    %jit3A_114 = arith.constant 8 : i32
    %div3A_115 = arith.divsi %add3A_113, %jit3A_114 : i32
    %sign3A_116 = arith.constant 0 : i32
    %sign3A_117 = arith.cmpi sgt, %add3A_113, %sign3A_116 : i32
    %sign3A_118 = arith.extui %sign3A_117 : i1 to i32
    %sign3A_119 = arith.constant 0 : i32
    %sign3A_120 = arith.cmpi slt, %add3A_113, %sign3A_119 : i32
    %sign3A_121 = arith.extui %sign3A_120 : i1 to i32
    %sign3A_122 = arith.subi %sign3A_118, %sign3A_121 : i32
    %sign3A_123 = arith.constant 0 : i32
    %sign3A_124 = arith.cmpi sgt, %jit3A_114, %sign3A_123 : i32
    %sign3A_125 = arith.extui %sign3A_124 : i1 to i32
    %sign3A_126 = arith.constant 0 : i32
    %sign3A_127 = arith.cmpi slt, %jit3A_114, %sign3A_126 : i32
    %sign3A_128 = arith.extui %sign3A_127 : i1 to i32
    %sign3A_129 = arith.subi %sign3A_125, %sign3A_128 : i32
    %ne3A_130 = arith.cmpi ne, %sign3A_122, %sign3A_129 : i32
    %rem3A_131 = arith.remsi %add3A_113, %jit3A_114 : i32
    %ne3A_132 = arith.constant 0 : i32
    %ne3A_133 = arith.cmpi ne, %rem3A_131, %ne3A_132 : i32
    %and3A_134 = arith.andi %ne3A_130, %ne3A_133 : i1
    %sub3A_135 = arith.constant 1 : i32
    %sub3A_136 = arith.subi %div3A_115, %sub3A_135 : i32
    %select_n3A_137 = arith.select %and3A_134, %sub3A_136, %div3A_115 : i32
    %add3A_138 = arith.constant 0 : i32
    %add3A_139 = arith.addi %mul3A_104, %add3A_138 : i32
    %jit3A_140 = arith.constant 8 : i32
    %eq3A_141 = arith.constant 0 : i32
    %eq3A_142 = arith.cmpi eq, %jit3A_140, %eq3A_141 : i32
    %jit3A_143 = arith.constant 1 : i32
    %select_n3A_144 = arith.select %eq3A_142, %jit3A_143, %jit3A_140 : i32
    %rem3A_145 = arith.remsi %add3A_113, %select_n3A_144 : i32
    %ne3A_146 = arith.constant 0 : i32
    %ne3A_147 = arith.cmpi ne, %rem3A_145, %ne3A_146 : i32
    %lt3A_148 = arith.constant 0 : i32
    %lt3A_149 = arith.cmpi slt, %rem3A_145, %lt3A_148 : i32
    %lt3A_150 = arith.constant 0 : i32
    %lt3A_151 = arith.cmpi slt, %select_n3A_144, %lt3A_150 : i32
    %ne3A_152 = arith.xori %lt3A_149, %lt3A_151 : i1
    %and3A_153 = arith.andi %ne3A_152, %ne3A_147 : i1
    %add3A_154 = arith.addi %rem3A_145, %select_n3A_144 : i32
    %select_n3A_155 = arith.select %and3A_153, %add3A_154, %rem3A_145 : i32
    %dma_start3A_156 = arith.constant 0 : i32
    %dma_start3A_157 = arith.constant 0 : i32
    %dma_start3A_158 = tpu.memref_slice %arg12[%dma_start3A_156, %dma_start3A_157] : memref<64x128xf32, #tpu.memory_space<vmem>> -> memref<32x128xf32, #tpu.memory_space<vmem>>
    %dma_start3A_159 = arith.constant 0 : i32
    %dma_start3A_160 = tpu.memref_slice %arg8[%select_n3A_137, %add3A_139, %select_n3A_155, %dma_start3A_159] : memref<6x128x8x128xf32, #tpu.memory_space<hbm>> -> memref<1x32x1x128xf32, #tpu.memory_space<hbm>>
    %dma_start3A_161 = tpu.memref_squeeze %dma_start3A_160 : memref<1x32x1x128xf32, #tpu.memory_space<hbm>> -> memref<32x128xf32, #tpu.memory_space<hbm>>
    %dma_start3A_162 = arith.constant 0 : i32
    %dma_start3A_163 = tpu.memref_slice %arg8[%select_n3A_137, %add3A_139, %select_n3A_155, %dma_start3A_162] : memref<6x128x8x128xf32, #tpu.memory_space<hbm>> -> memref<1x32x1x128xf32, #tpu.memory_space<hbm>>
    %dma_start3A_164 = tpu.memref_squeeze %dma_start3A_163 : memref<1x32x1x128xf32, #tpu.memory_space<hbm>> -> memref<32x128xf32, #tpu.memory_space<hbm>>
    %dma_start3A_165 = arith.constant 0 : i32
    %dma_start3A_166 = arith.constant 0 : i32
    %dma_start3A_167 = tpu.memref_slice %arg12[%dma_start3A_165, %dma_start3A_166] : memref<64x128xf32, #tpu.memory_space<vmem>> -> memref<32x128xf32, #tpu.memory_space<vmem>>
    tpu.enqueue_dma source(%dma_start3A_167 : memref<32x128xf32, #tpu.memory_space<vmem>>) target(%dma_start3A_164 : memref<32x128xf32, #tpu.memory_space<hbm>>) target_semaphore(%arg19 : memref<!tpu.dma_semaphore, #tpu.memory_space<semaphore_mem>>)
    %jit3A_168 = arith.constant 8 : i32
    %div3A_169 = arith.divsi %add3A_113, %jit3A_168 : i32
    %sign3A_170 = arith.constant 0 : i32
    %sign3A_171 = arith.cmpi sgt, %add3A_113, %sign3A_170 : i32
    %sign3A_172 = arith.extui %sign3A_171 : i1 to i32
    %sign3A_173 = arith.constant 0 : i32
    %sign3A_174 = arith.cmpi slt, %add3A_113, %sign3A_173 : i32
    %sign3A_175 = arith.extui %sign3A_174 : i1 to i32
    %sign3A_176 = arith.subi %sign3A_172, %sign3A_175 : i32
    %sign3A_177 = arith.constant 0 : i32
    %sign3A_178 = arith.cmpi sgt, %jit3A_168, %sign3A_177 : i32
    %sign3A_179 = arith.extui %sign3A_178 : i1 to i32
    %sign3A_180 = arith.constant 0 : i32
    %sign3A_181 = arith.cmpi slt, %jit3A_168, %sign3A_180 : i32
    %sign3A_182 = arith.extui %sign3A_181 : i1 to i32
    %sign3A_183 = arith.subi %sign3A_179, %sign3A_182 : i32
    %ne3A_184 = arith.cmpi ne, %sign3A_176, %sign3A_183 : i32
    %rem3A_185 = arith.remsi %add3A_113, %jit3A_168 : i32
    %ne3A_186 = arith.constant 0 : i32
    %ne3A_187 = arith.cmpi ne, %rem3A_185, %ne3A_186 : i32
    %and3A_188 = arith.andi %ne3A_184, %ne3A_187 : i1
    %sub3A_189 = arith.constant 1 : i32
    %sub3A_190 = arith.subi %div3A_169, %sub3A_189 : i32
    %select_n3A_191 = arith.select %and3A_188, %sub3A_190, %div3A_169 : i32
    %add3A_192 = arith.constant 32 : i32
    %add3A_193 = arith.addi %mul3A_104, %add3A_192 : i32
    %jit3A_194 = arith.constant 8 : i32
    %eq3A_195 = arith.constant 0 : i32
    %eq3A_196 = arith.cmpi eq, %jit3A_194, %eq3A_195 : i32
    %jit3A_197 = arith.constant 1 : i32
    %select_n3A_198 = arith.select %eq3A_196, %jit3A_197, %jit3A_194 : i32
    %rem3A_199 = arith.remsi %add3A_113, %select_n3A_198 : i32
    %ne3A_200 = arith.constant 0 : i32
    %ne3A_201 = arith.cmpi ne, %rem3A_199, %ne3A_200 : i32
    %lt3A_202 = arith.constant 0 : i32
    %lt3A_203 = arith.cmpi slt, %rem3A_199, %lt3A_202 : i32
    %lt3A_204 = arith.constant 0 : i32
    %lt3A_205 = arith.cmpi slt, %select_n3A_198, %lt3A_204 : i32
    %ne3A_206 = arith.xori %lt3A_203, %lt3A_205 : i1
    %and3A_207 = arith.andi %ne3A_206, %ne3A_201 : i1
    %add3A_208 = arith.addi %rem3A_199, %select_n3A_198 : i32
    %select_n3A_209 = arith.select %and3A_207, %add3A_208, %rem3A_199 : i32
    %dma_start3A_210 = arith.constant 32 : i32
    %dma_start3A_211 = arith.constant 0 : i32
    %dma_start3A_212 = tpu.memref_slice %arg12[%dma_start3A_210, %dma_start3A_211] : memref<64x128xf32, #tpu.memory_space<vmem>> -> memref<32x128xf32, #tpu.memory_space<vmem>>
    %dma_start3A_213 = arith.constant 0 : i32
    %dma_start3A_214 = tpu.memref_slice %arg8[%select_n3A_191, %add3A_193, %select_n3A_209, %dma_start3A_213] : memref<6x128x8x128xf32, #tpu.memory_space<hbm>> -> memref<1x32x1x128xf32, #tpu.memory_space<hbm>>
    %dma_start3A_215 = tpu.memref_squeeze %dma_start3A_214 : memref<1x32x1x128xf32, #tpu.memory_space<hbm>> -> memref<32x128xf32, #tpu.memory_space<hbm>>
    %dma_start3A_216 = arith.constant 0 : i32
    %dma_start3A_217 = tpu.memref_slice %arg8[%select_n3A_191, %add3A_193, %select_n3A_209, %dma_start3A_216] : memref<6x128x8x128xf32, #tpu.memory_space<hbm>> -> memref<1x32x1x128xf32, #tpu.memory_space<hbm>>
    %dma_start3A_218 = tpu.memref_squeeze %dma_start3A_217 : memref<1x32x1x128xf32, #tpu.memory_space<hbm>> -> memref<32x128xf32, #tpu.memory_space<hbm>>
    %dma_start3A_219 = arith.constant 32 : i32
    %dma_start3A_220 = arith.constant 0 : i32
    %dma_start3A_221 = tpu.memref_slice %arg12[%dma_start3A_219, %dma_start3A_220] : memref<64x128xf32, #tpu.memory_space<vmem>> -> memref<32x128xf32, #tpu.memory_space<vmem>>
    tpu.enqueue_dma source(%dma_start3A_221 : memref<32x128xf32, #tpu.memory_space<vmem>>) target(%dma_start3A_218 : memref<32x128xf32, #tpu.memory_space<hbm>>) target_semaphore(%arg19 : memref<!tpu.dma_semaphore, #tpu.memory_space<semaphore_mem>>)
    %dma_wait3A = tpu.memref_slice %arg5[%multiple_of3A] : memref<3200032xf32, #tpu.memory_space<hbm>> -> memref<100008xf32, #tpu.memory_space<hbm>>
    %dma_wait3A_222 = tpu.memref_slice %arg5[%multiple_of3A] : memref<3200032xf32, #tpu.memory_space<hbm>> -> memref<100008xf32, #tpu.memory_space<hbm>>
    tpu.wait_dma2 semaphore(%arg15 : memref<!tpu.dma_semaphore, #tpu.memory_space<semaphore_mem>>) src(%dma_wait3A_222 : memref<100008xf32, #tpu.memory_space<hbm>>) dst(%arg9 : memref<100008xf32, #tpu.memory_space<vmem>>)
    %dma_wait3A_223 = arith.constant 0 : i32
    %dma_wait3A_224 = tpu.memref_slice %arg10[%dma_wait3A_223] : memref<8192xi32, #tpu.memory_space<vmem>> -> memref<4096xi32, #tpu.memory_space<vmem>>
    %dma_wait3A_225 = arith.constant 0 : i32
    %dma_wait3A_226 = tpu.memref_slice %arg2[%dma_wait3A_225] : memref<16384xi32, #tpu.memory_space<hbm>> -> memref<4096xi32, #tpu.memory_space<hbm>>
    %dma_wait3A_227 = arith.constant 0 : i32
    %dma_wait3A_228 = tpu.memref_slice %arg10[%dma_wait3A_227] : memref<8192xi32, #tpu.memory_space<vmem>> -> memref<4096xi32, #tpu.memory_space<vmem>>
    %dma_wait3A_229 = arith.constant 0 : i32
    %dma_wait3A_230 = tpu.memref_slice %arg2[%dma_wait3A_229] : memref<16384xi32, #tpu.memory_space<hbm>> -> memref<4096xi32, #tpu.memory_space<hbm>>
    tpu.wait_dma2 semaphore(%arg16 : memref<!tpu.dma_semaphore, #tpu.memory_space<semaphore_mem>>) src(%dma_wait3A_230 : memref<4096xi32, #tpu.memory_space<hbm>>) dst(%dma_wait3A_228 : memref<4096xi32, #tpu.memory_space<vmem>>)
    %dma_wait3A_231 = arith.constant 0 : i32
    %dma_wait3A_232 = arith.constant 0 : i32
    %dma_wait3A_233 = tpu.memref_slice %arg12[%dma_wait3A_231, %dma_wait3A_232] : memref<64x128xf32, #tpu.memory_space<vmem>> -> memref<32x128xf32, #tpu.memory_space<vmem>>
    %dma_wait3A_234 = arith.constant 0 : i32
    %dma_wait3A_235 = tpu.memref_slice %arg8[%select_n3A_137, %add3A_139, %select_n3A_155, %dma_wait3A_234] : memref<6x128x8x128xf32, #tpu.memory_space<hbm>> -> memref<1x32x1x128xf32, #tpu.memory_space<hbm>>
    %dma_wait3A_236 = tpu.memref_squeeze %dma_wait3A_235 : memref<1x32x1x128xf32, #tpu.memory_space<hbm>> -> memref<32x128xf32, #tpu.memory_space<hbm>>
    %dma_wait3A_237 = arith.constant 0 : i32
    %dma_wait3A_238 = tpu.memref_slice %arg8[%select_n3A_137, %add3A_139, %select_n3A_155, %dma_wait3A_237] : memref<6x128x8x128xf32, #tpu.memory_space<hbm>> -> memref<1x32x1x128xf32, #tpu.memory_space<hbm>>
    %dma_wait3A_239 = tpu.memref_squeeze %dma_wait3A_238 : memref<1x32x1x128xf32, #tpu.memory_space<hbm>> -> memref<32x128xf32, #tpu.memory_space<hbm>>
    %dma_wait3A_240 = arith.constant 0 : i32
    %dma_wait3A_241 = arith.constant 0 : i32
    %dma_wait3A_242 = tpu.memref_slice %arg12[%dma_wait3A_240, %dma_wait3A_241] : memref<64x128xf32, #tpu.memory_space<vmem>> -> memref<32x128xf32, #tpu.memory_space<vmem>>
    tpu.wait_dma2 semaphore(%arg19 : memref<!tpu.dma_semaphore, #tpu.memory_space<semaphore_mem>>) src(%dma_wait3A_242 : memref<32x128xf32, #tpu.memory_space<vmem>>) dst(%dma_wait3A_239 : memref<32x128xf32, #tpu.memory_space<hbm>>)
    %parallel_loop3A = arith.constant 0 : i32
    %parallel_loop3A_243 = arith.constant 256 : i32
    %parallel_loop3A_244 = arith.constant 1 : i32
    scf.for %parallel_loop3A_578 = %parallel_loop3A to %parallel_loop3A_243 step %parallel_loop3A_244  : i32 {
      %parallel_loop3A_579 = arith.constant 16 : i32
      %parallel_loop3A_580 = arith.muli %parallel_loop3A_578, %parallel_loop3A_579 : i32
      %parallel_loop3A_581 = arith.constant 0 : i32
      %parallel_loop3A_582 = arith.addi %parallel_loop3A_581, %parallel_loop3A_580 : i32
      %parallel_loop3A_583 = arith.index_cast %parallel_loop3A_582 : i32 to index
      %parallel_loop3A_584 = tpu.vector_load %arg10[%parallel_loop3A_583] {strides = array<i32>} : memref<8192xi32, #tpu.memory_space<vmem>>, vector<16xi32>,
      %parallel_loop3A_585 = vector.broadcast %sub3A_21 : i32 to vector<16xi32>
      %parallel_loop3A_586 = arith.addi %parallel_loop3A_584, %parallel_loop3A_585 : vector<16xi32>
      %parallel_loop3A_587 = tpu.vector_load_idx %arg9[%parallel_loop3A_586] : memref<100008xf32, #tpu.memory_space<vmem>>[vector<16xi32>], vector<16xf32>,
      %parallel_loop3A_588 = arith.constant 8 : i32
      %parallel_loop3A_589 = arith.divsi %parallel_loop3A_578, %parallel_loop3A_588 : i32
      %parallel_loop3A_590 = arith.constant 0 : i32
      %parallel_loop3A_591 = arith.cmpi sgt, %parallel_loop3A_578, %parallel_loop3A_590 : i32
      %parallel_loop3A_592 = arith.extui %parallel_loop3A_591 : i1 to i32
      %parallel_loop3A_593 = arith.constant 0 : i32
      %parallel_loop3A_594 = arith.cmpi slt, %parallel_loop3A_578, %parallel_loop3A_593 : i32
      %parallel_loop3A_595 = arith.extui %parallel_loop3A_594 : i1 to i32
      %parallel_loop3A_596 = arith.subi %parallel_loop3A_592, %parallel_loop3A_595 : i32
      %parallel_loop3A_597 = arith.constant 0 : i32
      %parallel_loop3A_598 = arith.cmpi sgt, %parallel_loop3A_588, %parallel_loop3A_597 : i32
      %parallel_loop3A_599 = arith.extui %parallel_loop3A_598 : i1 to i32
      %parallel_loop3A_600 = arith.constant 0 : i32
      %parallel_loop3A_601 = arith.cmpi slt, %parallel_loop3A_588, %parallel_loop3A_600 : i32
      %parallel_loop3A_602 = arith.extui %parallel_loop3A_601 : i1 to i32
      %parallel_loop3A_603 = arith.subi %parallel_loop3A_599, %parallel_loop3A_602 : i32
      %parallel_loop3A_604 = arith.cmpi ne, %parallel_loop3A_596, %parallel_loop3A_603 : i32
      %parallel_loop3A_605 = arith.remsi %parallel_loop3A_578, %parallel_loop3A_588 : i32
      %parallel_loop3A_606 = arith.constant 0 : i32
      %parallel_loop3A_607 = arith.cmpi ne, %parallel_loop3A_605, %parallel_loop3A_606 : i32
      %parallel_loop3A_608 = arith.andi %parallel_loop3A_604, %parallel_loop3A_607 : i1
      %parallel_loop3A_609 = arith.constant 1 : i32
      %parallel_loop3A_610 = arith.subi %parallel_loop3A_589, %parallel_loop3A_609 : i32
      %parallel_loop3A_611 = arith.select %parallel_loop3A_608, %parallel_loop3A_610, %parallel_loop3A_589 : i32
      %parallel_loop3A_612 = arith.constant 0 : i32
      %parallel_loop3A_613 = arith.addi %parallel_loop3A_612, %parallel_loop3A_611 : i32
      %parallel_loop3A_614 = arith.constant 8 : i32
      %parallel_loop3A_615 = arith.constant 0 : i32
      %parallel_loop3A_616 = arith.cmpi eq, %parallel_loop3A_614, %parallel_loop3A_615 : i32
      %parallel_loop3A_617 = arith.constant 1 : i32
      %parallel_loop3A_618 = arith.select %parallel_loop3A_616, %parallel_loop3A_617, %parallel_loop3A_614 : i32
      %parallel_loop3A_619 = arith.remsi %parallel_loop3A_578, %parallel_loop3A_618 : i32
      %parallel_loop3A_620 = arith.constant 0 : i32
      %parallel_loop3A_621 = arith.cmpi ne, %parallel_loop3A_619, %parallel_loop3A_620 : i32
      %parallel_loop3A_622 = arith.constant 0 : i32
      %parallel_loop3A_623 = arith.cmpi slt, %parallel_loop3A_619, %parallel_loop3A_622 : i32
      %parallel_loop3A_624 = arith.constant 0 : i32
      %parallel_loop3A_625 = arith.cmpi slt, %parallel_loop3A_618, %parallel_loop3A_624 : i32
      %parallel_loop3A_626 = arith.xori %parallel_loop3A_623, %parallel_loop3A_625 : i1
      %parallel_loop3A_627 = arith.andi %parallel_loop3A_626, %parallel_loop3A_621 : i1
      %parallel_loop3A_628 = arith.addi %parallel_loop3A_619, %parallel_loop3A_618 : i32
      %parallel_loop3A_629 = arith.select %parallel_loop3A_627, %parallel_loop3A_628, %parallel_loop3A_619 : i32
      %parallel_loop3A_630 = arith.constant 16 : i32
      %parallel_loop3A_631 = arith.muli %parallel_loop3A_629, %parallel_loop3A_630 : i32
      %parallel_loop3A_632 = arith.index_cast %parallel_loop3A_613 : i32 to index
      %parallel_loop3A_633 = arith.index_cast %parallel_loop3A_631 : i32 to index
      %parallel_loop3A_634 = tpu.vector_load %arg12[%parallel_loop3A_632, %parallel_loop3A_633] {strides = array<i32>} : memref<64x128xf32, #tpu.memory_space<vmem>>, vector<16xf32>,
      tpu.vector_store %arg12[%parallel_loop3A_632, %parallel_loop3A_633], %parallel_loop3A_587 {strides = array<i32>} : memref<64x128xf32, #tpu.memory_space<vmem>>, vector<16xf32>,
    } {sc.loop_unroll_factor = 8 : i64, sc.parallel_access}
    %jit3A_245 = arith.constant 8 : i32
    %div3A_246 = arith.divsi %add3A, %jit3A_245 : i32
    %sign3A_247 = arith.constant 0 : i32
    %sign3A_248 = arith.cmpi sgt, %add3A, %sign3A_247 : i32
    %sign3A_249 = arith.extui %sign3A_248 : i1 to i32
    %sign3A_250 = arith.constant 0 : i32
    %sign3A_251 = arith.cmpi slt, %add3A, %sign3A_250 : i32
    %sign3A_252 = arith.extui %sign3A_251 : i1 to i32
    %sign3A_253 = arith.subi %sign3A_249, %sign3A_252 : i32
    %sign3A_254 = arith.constant 0 : i32
    %sign3A_255 = arith.cmpi sgt, %jit3A_245, %sign3A_254 : i32
    %sign3A_256 = arith.extui %sign3A_255 : i1 to i32
    %sign3A_257 = arith.constant 0 : i32
    %sign3A_258 = arith.cmpi slt, %jit3A_245, %sign3A_257 : i32
    %sign3A_259 = arith.extui %sign3A_258 : i1 to i32
    %sign3A_260 = arith.subi %sign3A_256, %sign3A_259 : i32
    %ne3A_261 = arith.cmpi ne, %sign3A_253, %sign3A_260 : i32
    %rem3A_262 = arith.remsi %add3A, %jit3A_245 : i32
    %ne3A_263 = arith.constant 0 : i32
    %ne3A_264 = arith.cmpi ne, %rem3A_262, %ne3A_263 : i32
    %and3A_265 = arith.andi %ne3A_261, %ne3A_264 : i1
    %sub3A_266 = arith.constant 1 : i32
    %sub3A_267 = arith.subi %div3A_246, %sub3A_266 : i32
    %select_n3A_268 = arith.select %and3A_265, %sub3A_267, %div3A_246 : i32
    %jit3A_269 = arith.constant 8 : i32
    %eq3A_270 = arith.constant 0 : i32
    %eq3A_271 = arith.cmpi eq, %jit3A_269, %eq3A_270 : i32
    %jit3A_272 = arith.constant 1 : i32
    %select_n3A_273 = arith.select %eq3A_271, %jit3A_272, %jit3A_269 : i32
    %rem3A_274 = arith.remsi %add3A, %select_n3A_273 : i32
    %ne3A_275 = arith.constant 0 : i32
    %ne3A_276 = arith.cmpi ne, %rem3A_274, %ne3A_275 : i32
    %lt3A_277 = arith.constant 0 : i32
    %lt3A_278 = arith.cmpi slt, %rem3A_274, %lt3A_277 : i32
    %lt3A_279 = arith.constant 0 : i32
    %lt3A_280 = arith.cmpi slt, %select_n3A_273, %lt3A_279 : i32
    %ne3A_281 = arith.xori %lt3A_278, %lt3A_280 : i1
    %and3A_282 = arith.andi %ne3A_281, %ne3A_276 : i1
    %add3A_283 = arith.addi %rem3A_274, %select_n3A_273 : i32
    %select_n3A_284 = arith.select %and3A_282, %add3A_283, %rem3A_274 : i32
    %dma_start3A_285 = arith.constant 0 : i32
    %dma_start3A_286 = arith.constant 0 : i32
    %dma_start3A_287 = tpu.memref_slice %arg12[%dma_start3A_285, %dma_start3A_286] : memref<64x128xf32, #tpu.memory_space<vmem>> -> memref<32x128xf32, #tpu.memory_space<vmem>>
    %dma_start3A_288 = arith.constant 0 : i32
    %dma_start3A_289 = arith.constant 0 : i32
    %dma_start3A_290 = tpu.memref_slice %arg8[%select_n3A_268, %dma_start3A_288, %select_n3A_284, %dma_start3A_289] : memref<6x128x8x128xf32, #tpu.memory_space<hbm>> -> memref<1x32x1x128xf32, #tpu.memory_space<hbm>>
    %dma_start3A_291 = tpu.memref_squeeze %dma_start3A_290 : memref<1x32x1x128xf32, #tpu.memory_space<hbm>> -> memref<32x128xf32, #tpu.memory_space<hbm>>
    %dma_start3A_292 = arith.constant 0 : i32
    %dma_start3A_293 = arith.constant 0 : i32
    %dma_start3A_294 = tpu.memref_slice %arg8[%select_n3A_268, %dma_start3A_292, %select_n3A_284, %dma_start3A_293] : memref<6x128x8x128xf32, #tpu.memory_space<hbm>> -> memref<1x32x1x128xf32, #tpu.memory_space<hbm>>
    %dma_start3A_295 = tpu.memref_squeeze %dma_start3A_294 : memref<1x32x1x128xf32, #tpu.memory_space<hbm>> -> memref<32x128xf32, #tpu.memory_space<hbm>>
    %dma_start3A_296 = arith.constant 0 : i32
    %dma_start3A_297 = arith.constant 0 : i32
    %dma_start3A_298 = tpu.memref_slice %arg12[%dma_start3A_296, %dma_start3A_297] : memref<64x128xf32, #tpu.memory_space<vmem>> -> memref<32x128xf32, #tpu.memory_space<vmem>>
    tpu.enqueue_dma source(%dma_start3A_298 : memref<32x128xf32, #tpu.memory_space<vmem>>) target(%dma_start3A_295 : memref<32x128xf32, #tpu.memory_space<hbm>>) target_semaphore(%arg19 : memref<!tpu.dma_semaphore, #tpu.memory_space<semaphore_mem>>)
    %dma_start3A_299 = arith.constant 0 : i32
    %dma_start3A_300 = tpu.memref_slice %arg10[%dma_start3A_299] : memref<8192xi32, #tpu.memory_space<vmem>> -> memref<4096xi32, #tpu.memory_space<vmem>>
    %dma_start3A_301 = arith.constant 8192 : i32
    %dma_start3A_302 = tpu.memref_slice %arg2[%dma_start3A_301] : memref<16384xi32, #tpu.memory_space<hbm>> -> memref<4096xi32, #tpu.memory_space<hbm>>
    %dma_start3A_303 = arith.constant 0 : i32
    %dma_start3A_304 = tpu.memref_slice %arg10[%dma_start3A_303] : memref<8192xi32, #tpu.memory_space<vmem>> -> memref<4096xi32, #tpu.memory_space<vmem>>
    %dma_start3A_305 = arith.constant 8192 : i32
    %dma_start3A_306 = tpu.memref_slice %arg2[%dma_start3A_305] : memref<16384xi32, #tpu.memory_space<hbm>> -> memref<4096xi32, #tpu.memory_space<hbm>>
    tpu.enqueue_dma source(%dma_start3A_306 : memref<4096xi32, #tpu.memory_space<hbm>>) target(%dma_start3A_304 : memref<4096xi32, #tpu.memory_space<vmem>>) target_semaphore(%arg16 : memref<!tpu.dma_semaphore, #tpu.memory_space<semaphore_mem>>)
    %dma_wait3A_307 = arith.constant 4096 : i32
    %dma_wait3A_308 = tpu.memref_slice %arg10[%dma_wait3A_307] : memref<8192xi32, #tpu.memory_space<vmem>> -> memref<4096xi32, #tpu.memory_space<vmem>>
    %dma_wait3A_309 = arith.constant 4096 : i32
    %dma_wait3A_310 = tpu.memref_slice %arg2[%dma_wait3A_309] : memref<16384xi32, #tpu.memory_space<hbm>> -> memref<4096xi32, #tpu.memory_space<hbm>>
    %dma_wait3A_311 = arith.constant 4096 : i32
    %dma_wait3A_312 = tpu.memref_slice %arg10[%dma_wait3A_311] : memref<8192xi32, #tpu.memory_space<vmem>> -> memref<4096xi32, #tpu.memory_space<vmem>>
    %dma_wait3A_313 = arith.constant 4096 : i32
    %dma_wait3A_314 = tpu.memref_slice %arg2[%dma_wait3A_313] : memref<16384xi32, #tpu.memory_space<hbm>> -> memref<4096xi32, #tpu.memory_space<hbm>>
    tpu.wait_dma2 semaphore(%arg17 : memref<!tpu.dma_semaphore, #tpu.memory_space<semaphore_mem>>) src(%dma_wait3A_314 : memref<4096xi32, #tpu.memory_space<hbm>>) dst(%dma_wait3A_312 : memref<4096xi32, #tpu.memory_space<vmem>>)
    %dma_wait3A_315 = arith.constant 32 : i32
    %dma_wait3A_316 = arith.constant 0 : i32
    %dma_wait3A_317 = tpu.memref_slice %arg12[%dma_wait3A_315, %dma_wait3A_316] : memref<64x128xf32, #tpu.memory_space<vmem>> -> memref<32x128xf32, #tpu.memory_space<vmem>>
    %dma_wait3A_318 = arith.constant 0 : i32
    %dma_wait3A_319 = tpu.memref_slice %arg8[%select_n3A_191, %add3A_193, %select_n3A_209, %dma_wait3A_318] : memref<6x128x8x128xf32, #tpu.memory_space<hbm>> -> memref<1x32x1x128xf32, #tpu.memory_space<hbm>>
    %dma_wait3A_320 = tpu.memref_squeeze %dma_wait3A_319 : memref<1x32x1x128xf32, #tpu.memory_space<hbm>> -> memref<32x128xf32, #tpu.memory_space<hbm>>
    %dma_wait3A_321 = arith.constant 0 : i32
    %dma_wait3A_322 = tpu.memref_slice %arg8[%select_n3A_191, %add3A_193, %select_n3A_209, %dma_wait3A_321] : memref<6x128x8x128xf32, #tpu.memory_space<hbm>> -> memref<1x32x1x128xf32, #tpu.memory_space<hbm>>
    %dma_wait3A_323 = tpu.memref_squeeze %dma_wait3A_322 : memref<1x32x1x128xf32, #tpu.memory_space<hbm>> -> memref<32x128xf32, #tpu.memory_space<hbm>>
    %dma_wait3A_324 = arith.constant 32 : i32
    %dma_wait3A_325 = arith.constant 0 : i32
    %dma_wait3A_326 = tpu.memref_slice %arg12[%dma_wait3A_324, %dma_wait3A_325] : memref<64x128xf32, #tpu.memory_space<vmem>> -> memref<32x128xf32, #tpu.memory_space<vmem>>
    tpu.wait_dma2 semaphore(%arg19 : memref<!tpu.dma_semaphore, #tpu.memory_space<semaphore_mem>>) src(%dma_wait3A_326 : memref<32x128xf32, #tpu.memory_space<vmem>>) dst(%dma_wait3A_323 : memref<32x128xf32, #tpu.memory_space<hbm>>)
    %parallel_loop3A_327 = arith.constant 0 : i32
    %parallel_loop3A_328 = arith.constant 256 : i32
    %parallel_loop3A_329 = arith.constant 1 : i32
    scf.for %parallel_loop3A_578 = %parallel_loop3A_327 to %parallel_loop3A_328 step %parallel_loop3A_329  : i32 {
      %parallel_loop3A_579 = arith.constant 16 : i32
      %parallel_loop3A_580 = arith.muli %parallel_loop3A_578, %parallel_loop3A_579 : i32
      %parallel_loop3A_581 = arith.constant 4096 : i32
      %parallel_loop3A_582 = arith.addi %parallel_loop3A_581, %parallel_loop3A_580 : i32
      %parallel_loop3A_583 = arith.index_cast %parallel_loop3A_582 : i32 to index
      %parallel_loop3A_584 = tpu.vector_load %arg10[%parallel_loop3A_583] {strides = array<i32>} : memref<8192xi32, #tpu.memory_space<vmem>>, vector<16xi32>,
      %parallel_loop3A_585 = vector.broadcast %sub3A_21 : i32 to vector<16xi32>
      %parallel_loop3A_586 = arith.addi %parallel_loop3A_584, %parallel_loop3A_585 : vector<16xi32>
      %parallel_loop3A_587 = tpu.vector_load_idx %arg9[%parallel_loop3A_586] : memref<100008xf32, #tpu.memory_space<vmem>>[vector<16xi32>], vector<16xf32>,
      %parallel_loop3A_588 = arith.constant 8 : i32
      %parallel_loop3A_589 = arith.divsi %parallel_loop3A_578, %parallel_loop3A_588 : i32
      %parallel_loop3A_590 = arith.constant 0 : i32
      %parallel_loop3A_591 = arith.cmpi sgt, %parallel_loop3A_578, %parallel_loop3A_590 : i32
      %parallel_loop3A_592 = arith.extui %parallel_loop3A_591 : i1 to i32
      %parallel_loop3A_593 = arith.constant 0 : i32
      %parallel_loop3A_594 = arith.cmpi slt, %parallel_loop3A_578, %parallel_loop3A_593 : i32
      %parallel_loop3A_595 = arith.extui %parallel_loop3A_594 : i1 to i32
      %parallel_loop3A_596 = arith.subi %parallel_loop3A_592, %parallel_loop3A_595 : i32
      %parallel_loop3A_597 = arith.constant 0 : i32
      %parallel_loop3A_598 = arith.cmpi sgt, %parallel_loop3A_588, %parallel_loop3A_597 : i32
      %parallel_loop3A_599 = arith.extui %parallel_loop3A_598 : i1 to i32
      %parallel_loop3A_600 = arith.constant 0 : i32
      %parallel_loop3A_601 = arith.cmpi slt, %parallel_loop3A_588, %parallel_loop3A_600 : i32
      %parallel_loop3A_602 = arith.extui %parallel_loop3A_601 : i1 to i32
      %parallel_loop3A_603 = arith.subi %parallel_loop3A_599, %parallel_loop3A_602 : i32
      %parallel_loop3A_604 = arith.cmpi ne, %parallel_loop3A_596, %parallel_loop3A_603 : i32
      %parallel_loop3A_605 = arith.remsi %parallel_loop3A_578, %parallel_loop3A_588 : i32
      %parallel_loop3A_606 = arith.constant 0 : i32
      %parallel_loop3A_607 = arith.cmpi ne, %parallel_loop3A_605, %parallel_loop3A_606 : i32
      %parallel_loop3A_608 = arith.andi %parallel_loop3A_604, %parallel_loop3A_607 : i1
      %parallel_loop3A_609 = arith.constant 1 : i32
      %parallel_loop3A_610 = arith.subi %parallel_loop3A_589, %parallel_loop3A_609 : i32
      %parallel_loop3A_611 = arith.select %parallel_loop3A_608, %parallel_loop3A_610, %parallel_loop3A_589 : i32
      %parallel_loop3A_612 = arith.constant 32 : i32
      %parallel_loop3A_613 = arith.addi %parallel_loop3A_612, %parallel_loop3A_611 : i32
      %parallel_loop3A_614 = arith.constant 8 : i32
      %parallel_loop3A_615 = arith.constant 0 : i32
      %parallel_loop3A_616 = arith.cmpi eq, %parallel_loop3A_614, %parallel_loop3A_615 : i32
      %parallel_loop3A_617 = arith.constant 1 : i32
      %parallel_loop3A_618 = arith.select %parallel_loop3A_616, %parallel_loop3A_617, %parallel_loop3A_614 : i32
      %parallel_loop3A_619 = arith.remsi %parallel_loop3A_578, %parallel_loop3A_618 : i32
      %parallel_loop3A_620 = arith.constant 0 : i32
      %parallel_loop3A_621 = arith.cmpi ne, %parallel_loop3A_619, %parallel_loop3A_620 : i32
      %parallel_loop3A_622 = arith.constant 0 : i32
      %parallel_loop3A_623 = arith.cmpi slt, %parallel_loop3A_619, %parallel_loop3A_622 : i32
      %parallel_loop3A_624 = arith.constant 0 : i32
      %parallel_loop3A_625 = arith.cmpi slt, %parallel_loop3A_618, %parallel_loop3A_624 : i32
      %parallel_loop3A_626 = arith.xori %parallel_loop3A_623, %parallel_loop3A_625 : i1
      %parallel_loop3A_627 = arith.andi %parallel_loop3A_626, %parallel_loop3A_621 : i1
      %parallel_loop3A_628 = arith.addi %parallel_loop3A_619, %parallel_loop3A_618 : i32
      %parallel_loop3A_629 = arith.select %parallel_loop3A_627, %parallel_loop3A_628, %parallel_loop3A_619 : i32
      %parallel_loop3A_630 = arith.constant 16 : i32
      %parallel_loop3A_631 = arith.muli %parallel_loop3A_629, %parallel_loop3A_630 : i32
      %parallel_loop3A_632 = arith.index_cast %parallel_loop3A_613 : i32 to index
      %parallel_loop3A_633 = arith.index_cast %parallel_loop3A_631 : i32 to index
      %parallel_loop3A_634 = tpu.vector_load %arg12[%parallel_loop3A_632, %parallel_loop3A_633] {strides = array<i32>} : memref<64x128xf32, #tpu.memory_space<vmem>>, vector<16xf32>,
      tpu.vector_store %arg12[%parallel_loop3A_632, %parallel_loop3A_633], %parallel_loop3A_587 {strides = array<i32>} : memref<64x128xf32, #tpu.memory_space<vmem>>, vector<16xf32>,
    } {sc.loop_unroll_factor = 8 : i64, sc.parallel_access}
    %jit3A_330 = arith.constant 8 : i32
    %div3A_331 = arith.divsi %add3A, %jit3A_330 : i32
    %sign3A_332 = arith.constant 0 : i32
    %sign3A_333 = arith.cmpi sgt, %add3A, %sign3A_332 : i32
    %sign3A_334 = arith.extui %sign3A_333 : i1 to i32
    %sign3A_335 = arith.constant 0 : i32
    %sign3A_336 = arith.cmpi slt, %add3A, %sign3A_335 : i32
    %sign3A_337 = arith.extui %sign3A_336 : i1 to i32
    %sign3A_338 = arith.subi %sign3A_334, %sign3A_337 : i32
    %sign3A_339 = arith.constant 0 : i32
    %sign3A_340 = arith.cmpi sgt, %jit3A_330, %sign3A_339 : i32
    %sign3A_341 = arith.extui %sign3A_340 : i1 to i32
    %sign3A_342 = arith.constant 0 : i32
    %sign3A_343 = arith.cmpi slt, %jit3A_330, %sign3A_342 : i32
    %sign3A_344 = arith.extui %sign3A_343 : i1 to i32
    %sign3A_345 = arith.subi %sign3A_341, %sign3A_344 : i32
    %ne3A_346 = arith.cmpi ne, %sign3A_338, %sign3A_345 : i32
    %rem3A_347 = arith.remsi %add3A, %jit3A_330 : i32
    %ne3A_348 = arith.constant 0 : i32
    %ne3A_349 = arith.cmpi ne, %rem3A_347, %ne3A_348 : i32
    %and3A_350 = arith.andi %ne3A_346, %ne3A_349 : i1
    %sub3A_351 = arith.constant 1 : i32
    %sub3A_352 = arith.subi %div3A_331, %sub3A_351 : i32
    %select_n3A_353 = arith.select %and3A_350, %sub3A_352, %div3A_331 : i32
    %jit3A_354 = arith.constant 8 : i32
    %eq3A_355 = arith.constant 0 : i32
    %eq3A_356 = arith.cmpi eq, %jit3A_354, %eq3A_355 : i32
    %jit3A_357 = arith.constant 1 : i32
    %select_n3A_358 = arith.select %eq3A_356, %jit3A_357, %jit3A_354 : i32
    %rem3A_359 = arith.remsi %add3A, %select_n3A_358 : i32
    %ne3A_360 = arith.constant 0 : i32
    %ne3A_361 = arith.cmpi ne, %rem3A_359, %ne3A_360 : i32
    %lt3A_362 = arith.constant 0 : i32
    %lt3A_363 = arith.cmpi slt, %rem3A_359, %lt3A_362 : i32
    %lt3A_364 = arith.constant 0 : i32
    %lt3A_365 = arith.cmpi slt, %select_n3A_358, %lt3A_364 : i32
    %ne3A_366 = arith.xori %lt3A_363, %lt3A_365 : i1
    %and3A_367 = arith.andi %ne3A_366, %ne3A_361 : i1
    %add3A_368 = arith.addi %rem3A_359, %select_n3A_358 : i32
    %select_n3A_369 = arith.select %and3A_367, %add3A_368, %rem3A_359 : i32
    %dma_start3A_370 = arith.constant 32 : i32
    %dma_start3A_371 = arith.constant 0 : i32
    %dma_start3A_372 = tpu.memref_slice %arg12[%dma_start3A_370, %dma_start3A_371] : memref<64x128xf32, #tpu.memory_space<vmem>> -> memref<32x128xf32, #tpu.memory_space<vmem>>
    %dma_start3A_373 = arith.constant 32 : i32
    %dma_start3A_374 = arith.constant 0 : i32
    %dma_start3A_375 = tpu.memref_slice %arg8[%select_n3A_353, %dma_start3A_373, %select_n3A_369, %dma_start3A_374] : memref<6x128x8x128xf32, #tpu.memory_space<hbm>> -> memref<1x32x1x128xf32, #tpu.memory_space<hbm>>
    %dma_start3A_376 = tpu.memref_squeeze %dma_start3A_375 : memref<1x32x1x128xf32, #tpu.memory_space<hbm>> -> memref<32x128xf32, #tpu.memory_space<hbm>>
    %dma_start3A_377 = arith.constant 32 : i32
    %dma_start3A_378 = arith.constant 0 : i32
    %dma_start3A_379 = tpu.memref_slice %arg8[%select_n3A_353, %dma_start3A_377, %select_n3A_369, %dma_start3A_378] : memref<6x128x8x128xf32, #tpu.memory_space<hbm>> -> memref<1x32x1x128xf32, #tpu.memory_space<hbm>>
    %dma_start3A_380 = tpu.memref_squeeze %dma_start3A_379 : memref<1x32x1x128xf32, #tpu.memory_space<hbm>> -> memref<32x128xf32, #tpu.memory_space<hbm>>
    %dma_start3A_381 = arith.constant 32 : i32
    %dma_start3A_382 = arith.constant 0 : i32
    %dma_start3A_383 = tpu.memref_slice %arg12[%dma_start3A_381, %dma_start3A_382] : memref<64x128xf32, #tpu.memory_space<vmem>> -> memref<32x128xf32, #tpu.memory_space<vmem>>
    tpu.enqueue_dma source(%dma_start3A_383 : memref<32x128xf32, #tpu.memory_space<vmem>>) target(%dma_start3A_380 : memref<32x128xf32, #tpu.memory_space<hbm>>) target_semaphore(%arg19 : memref<!tpu.dma_semaphore, #tpu.memory_space<semaphore_mem>>)
    %dma_start3A_384 = arith.constant 4096 : i32
    %dma_start3A_385 = tpu.memref_slice %arg10[%dma_start3A_384] : memref<8192xi32, #tpu.memory_space<vmem>> -> memref<4096xi32, #tpu.memory_space<vmem>>
    %dma_start3A_386 = arith.constant 12288 : i32
    %dma_start3A_387 = tpu.memref_slice %arg2[%dma_start3A_386] : memref<16384xi32, #tpu.memory_space<hbm>> -> memref<4096xi32, #tpu.memory_space<hbm>>
    %dma_start3A_388 = arith.constant 4096 : i32
    %dma_start3A_389 = tpu.memref_slice %arg10[%dma_start3A_388] : memref<8192xi32, #tpu.memory_space<vmem>> -> memref<4096xi32, #tpu.memory_space<vmem>>
    %dma_start3A_390 = arith.constant 12288 : i32
    %dma_start3A_391 = tpu.memref_slice %arg2[%dma_start3A_390] : memref<16384xi32, #tpu.memory_space<hbm>> -> memref<4096xi32, #tpu.memory_space<hbm>>
    tpu.enqueue_dma source(%dma_start3A_391 : memref<4096xi32, #tpu.memory_space<hbm>>) target(%dma_start3A_389 : memref<4096xi32, #tpu.memory_space<vmem>>) target_semaphore(%arg17 : memref<!tpu.dma_semaphore, #tpu.memory_space<semaphore_mem>>)
    %dma_wait3A_392 = arith.constant 0 : i32
    %dma_wait3A_393 = tpu.memref_slice %arg10[%dma_wait3A_392] : memref<8192xi32, #tpu.memory_space<vmem>> -> memref<4096xi32, #tpu.memory_space<vmem>>
    %dma_wait3A_394 = arith.constant 8192 : i32
    %dma_wait3A_395 = tpu.memref_slice %arg2[%dma_wait3A_394] : memref<16384xi32, #tpu.memory_space<hbm>> -> memref<4096xi32, #tpu.memory_space<hbm>>
    %dma_wait3A_396 = arith.constant 0 : i32
    %dma_wait3A_397 = tpu.memref_slice %arg10[%dma_wait3A_396] : memref<8192xi32, #tpu.memory_space<vmem>> -> memref<4096xi32, #tpu.memory_space<vmem>>
    %dma_wait3A_398 = arith.constant 8192 : i32
    %dma_wait3A_399 = tpu.memref_slice %arg2[%dma_wait3A_398] : memref<16384xi32, #tpu.memory_space<hbm>> -> memref<4096xi32, #tpu.memory_space<hbm>>
    tpu.wait_dma2 semaphore(%arg16 : memref<!tpu.dma_semaphore, #tpu.memory_space<semaphore_mem>>) src(%dma_wait3A_399 : memref<4096xi32, #tpu.memory_space<hbm>>) dst(%dma_wait3A_397 : memref<4096xi32, #tpu.memory_space<vmem>>)
    %dma_wait3A_400 = arith.constant 0 : i32
    %dma_wait3A_401 = arith.constant 0 : i32
    %dma_wait3A_402 = tpu.memref_slice %arg12[%dma_wait3A_400, %dma_wait3A_401] : memref<64x128xf32, #tpu.memory_space<vmem>> -> memref<32x128xf32, #tpu.memory_space<vmem>>
    %dma_wait3A_403 = arith.constant 0 : i32
    %dma_wait3A_404 = arith.constant 0 : i32
    %dma_wait3A_405 = tpu.memref_slice %arg8[%select_n3A_268, %dma_wait3A_403, %select_n3A_284, %dma_wait3A_404] : memref<6x128x8x128xf32, #tpu.memory_space<hbm>> -> memref<1x32x1x128xf32, #tpu.memory_space<hbm>>
    %dma_wait3A_406 = tpu.memref_squeeze %dma_wait3A_405 : memref<1x32x1x128xf32, #tpu.memory_space<hbm>> -> memref<32x128xf32, #tpu.memory_space<hbm>>
    %dma_wait3A_407 = arith.constant 0 : i32
    %dma_wait3A_408 = arith.constant 0 : i32
    %dma_wait3A_409 = tpu.memref_slice %arg8[%select_n3A_268, %dma_wait3A_407, %select_n3A_284, %dma_wait3A_408] : memref<6x128x8x128xf32, #tpu.memory_space<hbm>> -> memref<1x32x1x128xf32, #tpu.memory_space<hbm>>
    %dma_wait3A_410 = tpu.memref_squeeze %dma_wait3A_409 : memref<1x32x1x128xf32, #tpu.memory_space<hbm>> -> memref<32x128xf32, #tpu.memory_space<hbm>>
    %dma_wait3A_411 = arith.constant 0 : i32
    %dma_wait3A_412 = arith.constant 0 : i32
    %dma_wait3A_413 = tpu.memref_slice %arg12[%dma_wait3A_411, %dma_wait3A_412] : memref<64x128xf32, #tpu.memory_space<vmem>> -> memref<32x128xf32, #tpu.memory_space<vmem>>
    tpu.wait_dma2 semaphore(%arg19 : memref<!tpu.dma_semaphore, #tpu.memory_space<semaphore_mem>>) src(%dma_wait3A_413 : memref<32x128xf32, #tpu.memory_space<vmem>>) dst(%dma_wait3A_410 : memref<32x128xf32, #tpu.memory_space<hbm>>)
    %parallel_loop3A_414 = arith.constant 0 : i32
    %parallel_loop3A_415 = arith.constant 256 : i32
    %parallel_loop3A_416 = arith.constant 1 : i32
    scf.for %parallel_loop3A_578 = %parallel_loop3A_414 to %parallel_loop3A_415 step %parallel_loop3A_416  : i32 {
      %parallel_loop3A_579 = arith.constant 16 : i32
      %parallel_loop3A_580 = arith.muli %parallel_loop3A_578, %parallel_loop3A_579 : i32
      %parallel_loop3A_581 = arith.constant 0 : i32
      %parallel_loop3A_582 = arith.addi %parallel_loop3A_581, %parallel_loop3A_580 : i32
      %parallel_loop3A_583 = arith.index_cast %parallel_loop3A_582 : i32 to index
      %parallel_loop3A_584 = tpu.vector_load %arg10[%parallel_loop3A_583] {strides = array<i32>} : memref<8192xi32, #tpu.memory_space<vmem>>, vector<16xi32>,
      %parallel_loop3A_585 = vector.broadcast %sub3A_21 : i32 to vector<16xi32>
      %parallel_loop3A_586 = arith.addi %parallel_loop3A_584, %parallel_loop3A_585 : vector<16xi32>
      %parallel_loop3A_587 = tpu.vector_load_idx %arg9[%parallel_loop3A_586] : memref<100008xf32, #tpu.memory_space<vmem>>[vector<16xi32>], vector<16xf32>,
      %parallel_loop3A_588 = arith.constant 8 : i32
      %parallel_loop3A_589 = arith.divsi %parallel_loop3A_578, %parallel_loop3A_588 : i32
      %parallel_loop3A_590 = arith.constant 0 : i32
      %parallel_loop3A_591 = arith.cmpi sgt, %parallel_loop3A_578, %parallel_loop3A_590 : i32
      %parallel_loop3A_592 = arith.extui %parallel_loop3A_591 : i1 to i32
      %parallel_loop3A_593 = arith.constant 0 : i32
      %parallel_loop3A_594 = arith.cmpi slt, %parallel_loop3A_578, %parallel_loop3A_593 : i32
      %parallel_loop3A_595 = arith.extui %parallel_loop3A_594 : i1 to i32
      %parallel_loop3A_596 = arith.subi %parallel_loop3A_592, %parallel_loop3A_595 : i32
      %parallel_loop3A_597 = arith.constant 0 : i32
      %parallel_loop3A_598 = arith.cmpi sgt, %parallel_loop3A_588, %parallel_loop3A_597 : i32
      %parallel_loop3A_599 = arith.extui %parallel_loop3A_598 : i1 to i32
      %parallel_loop3A_600 = arith.constant 0 : i32
      %parallel_loop3A_601 = arith.cmpi slt, %parallel_loop3A_588, %parallel_loop3A_600 : i32
      %parallel_loop3A_602 = arith.extui %parallel_loop3A_601 : i1 to i32
      %parallel_loop3A_603 = arith.subi %parallel_loop3A_599, %parallel_loop3A_602 : i32
      %parallel_loop3A_604 = arith.cmpi ne, %parallel_loop3A_596, %parallel_loop3A_603 : i32
      %parallel_loop3A_605 = arith.remsi %parallel_loop3A_578, %parallel_loop3A_588 : i32
      %parallel_loop3A_606 = arith.constant 0 : i32
      %parallel_loop3A_607 = arith.cmpi ne, %parallel_loop3A_605, %parallel_loop3A_606 : i32
      %parallel_loop3A_608 = arith.andi %parallel_loop3A_604, %parallel_loop3A_607 : i1
      %parallel_loop3A_609 = arith.constant 1 : i32
      %parallel_loop3A_610 = arith.subi %parallel_loop3A_589, %parallel_loop3A_609 : i32
      %parallel_loop3A_611 = arith.select %parallel_loop3A_608, %parallel_loop3A_610, %parallel_loop3A_589 : i32
      %parallel_loop3A_612 = arith.constant 0 : i32
      %parallel_loop3A_613 = arith.addi %parallel_loop3A_612, %parallel_loop3A_611 : i32
      %parallel_loop3A_614 = arith.constant 8 : i32
      %parallel_loop3A_615 = arith.constant 0 : i32
      %parallel_loop3A_616 = arith.cmpi eq, %parallel_loop3A_614, %parallel_loop3A_615 : i32
      %parallel_loop3A_617 = arith.constant 1 : i32
      %parallel_loop3A_618 = arith.select %parallel_loop3A_616, %parallel_loop3A_617, %parallel_loop3A_614 : i32
      %parallel_loop3A_619 = arith.remsi %parallel_loop3A_578, %parallel_loop3A_618 : i32
      %parallel_loop3A_620 = arith.constant 0 : i32
      %parallel_loop3A_621 = arith.cmpi ne, %parallel_loop3A_619, %parallel_loop3A_620 : i32
      %parallel_loop3A_622 = arith.constant 0 : i32
      %parallel_loop3A_623 = arith.cmpi slt, %parallel_loop3A_619, %parallel_loop3A_622 : i32
      %parallel_loop3A_624 = arith.constant 0 : i32
      %parallel_loop3A_625 = arith.cmpi slt, %parallel_loop3A_618, %parallel_loop3A_624 : i32
      %parallel_loop3A_626 = arith.xori %parallel_loop3A_623, %parallel_loop3A_625 : i1
      %parallel_loop3A_627 = arith.andi %parallel_loop3A_626, %parallel_loop3A_621 : i1
      %parallel_loop3A_628 = arith.addi %parallel_loop3A_619, %parallel_loop3A_618 : i32
      %parallel_loop3A_629 = arith.select %parallel_loop3A_627, %parallel_loop3A_628, %parallel_loop3A_619 : i32
      %parallel_loop3A_630 = arith.constant 16 : i32
      %parallel_loop3A_631 = arith.muli %parallel_loop3A_629, %parallel_loop3A_630 : i32
      %parallel_loop3A_632 = arith.index_cast %parallel_loop3A_613 : i32 to index
      %parallel_loop3A_633 = arith.index_cast %parallel_loop3A_631 : i32 to index
      %parallel_loop3A_634 = tpu.vector_load %arg12[%parallel_loop3A_632, %parallel_loop3A_633] {strides = array<i32>} : memref<64x128xf32, #tpu.memory_space<vmem>>, vector<16xf32>,
      tpu.vector_store %arg12[%parallel_loop3A_632, %parallel_loop3A_633], %parallel_loop3A_587 {strides = array<i32>} : memref<64x128xf32, #tpu.memory_space<vmem>>, vector<16xf32>,
    } {sc.loop_unroll_factor = 8 : i64, sc.parallel_access}
    %jit3A_417 = arith.constant 8 : i32
    %div3A_418 = arith.divsi %add3A, %jit3A_417 : i32
    %sign3A_419 = arith.constant 0 : i32
    %sign3A_420 = arith.cmpi sgt, %add3A, %sign3A_419 : i32
    %sign3A_421 = arith.extui %sign3A_420 : i1 to i32
    %sign3A_422 = arith.constant 0 : i32
    %sign3A_423 = arith.cmpi slt, %add3A, %sign3A_422 : i32
    %sign3A_424 = arith.extui %sign3A_423 : i1 to i32
    %sign3A_425 = arith.subi %sign3A_421, %sign3A_424 : i32
    %sign3A_426 = arith.constant 0 : i32
    %sign3A_427 = arith.cmpi sgt, %jit3A_417, %sign3A_426 : i32
    %sign3A_428 = arith.extui %sign3A_427 : i1 to i32
    %sign3A_429 = arith.constant 0 : i32
    %sign3A_430 = arith.cmpi slt, %jit3A_417, %sign3A_429 : i32
    %sign3A_431 = arith.extui %sign3A_430 : i1 to i32
    %sign3A_432 = arith.subi %sign3A_428, %sign3A_431 : i32
    %ne3A_433 = arith.cmpi ne, %sign3A_425, %sign3A_432 : i32
    %rem3A_434 = arith.remsi %add3A, %jit3A_417 : i32
    %ne3A_435 = arith.constant 0 : i32
    %ne3A_436 = arith.cmpi ne, %rem3A_434, %ne3A_435 : i32
    %and3A_437 = arith.andi %ne3A_433, %ne3A_436 : i1
    %sub3A_438 = arith.constant 1 : i32
    %sub3A_439 = arith.subi %div3A_418, %sub3A_438 : i32
    %select_n3A_440 = arith.select %and3A_437, %sub3A_439, %div3A_418 : i32
    %jit3A_441 = arith.constant 8 : i32
    %eq3A_442 = arith.constant 0 : i32
    %eq3A_443 = arith.cmpi eq, %jit3A_441, %eq3A_442 : i32
    %jit3A_444 = arith.constant 1 : i32
    %select_n3A_445 = arith.select %eq3A_443, %jit3A_444, %jit3A_441 : i32
    %rem3A_446 = arith.remsi %add3A, %select_n3A_445 : i32
    %ne3A_447 = arith.constant 0 : i32
    %ne3A_448 = arith.cmpi ne, %rem3A_446, %ne3A_447 : i32
    %lt3A_449 = arith.constant 0 : i32
    %lt3A_450 = arith.cmpi slt, %rem3A_446, %lt3A_449 : i32
    %lt3A_451 = arith.constant 0 : i32
    %lt3A_452 = arith.cmpi slt, %select_n3A_445, %lt3A_451 : i32
    %ne3A_453 = arith.xori %lt3A_450, %lt3A_452 : i1
    %and3A_454 = arith.andi %ne3A_453, %ne3A_448 : i1
    %add3A_455 = arith.addi %rem3A_446, %select_n3A_445 : i32
    %select_n3A_456 = arith.select %and3A_454, %add3A_455, %rem3A_446 : i32
    %dma_start3A_457 = arith.constant 0 : i32
    %dma_start3A_458 = arith.constant 0 : i32
    %dma_start3A_459 = tpu.memref_slice %arg12[%dma_start3A_457, %dma_start3A_458] : memref<64x128xf32, #tpu.memory_space<vmem>> -> memref<32x128xf32, #tpu.memory_space<vmem>>
    %dma_start3A_460 = arith.constant 64 : i32
    %dma_start3A_461 = arith.constant 0 : i32
    %dma_start3A_462 = tpu.memref_slice %arg8[%select_n3A_440, %dma_start3A_460, %select_n3A_456, %dma_start3A_461] : memref<6x128x8x128xf32, #tpu.memory_space<hbm>> -> memref<1x32x1x128xf32, #tpu.memory_space<hbm>>
    %dma_start3A_463 = tpu.memref_squeeze %dma_start3A_462 : memref<1x32x1x128xf32, #tpu.memory_space<hbm>> -> memref<32x128xf32, #tpu.memory_space<hbm>>
    %dma_start3A_464 = arith.constant 64 : i32
    %dma_start3A_465 = arith.constant 0 : i32
    %dma_start3A_466 = tpu.memref_slice %arg8[%select_n3A_440, %dma_start3A_464, %select_n3A_456, %dma_start3A_465] : memref<6x128x8x128xf32, #tpu.memory_space<hbm>> -> memref<1x32x1x128xf32, #tpu.memory_space<hbm>>
    %dma_start3A_467 = tpu.memref_squeeze %dma_start3A_466 : memref<1x32x1x128xf32, #tpu.memory_space<hbm>> -> memref<32x128xf32, #tpu.memory_space<hbm>>
    %dma_start3A_468 = arith.constant 0 : i32
    %dma_start3A_469 = arith.constant 0 : i32
    %dma_start3A_470 = tpu.memref_slice %arg12[%dma_start3A_468, %dma_start3A_469] : memref<64x128xf32, #tpu.memory_space<vmem>> -> memref<32x128xf32, #tpu.memory_space<vmem>>
    tpu.enqueue_dma source(%dma_start3A_470 : memref<32x128xf32, #tpu.memory_space<vmem>>) target(%dma_start3A_467 : memref<32x128xf32, #tpu.memory_space<hbm>>) target_semaphore(%arg19 : memref<!tpu.dma_semaphore, #tpu.memory_space<semaphore_mem>>)
    %dma_wait3A_471 = arith.constant 4096 : i32
    %dma_wait3A_472 = tpu.memref_slice %arg10[%dma_wait3A_471] : memref<8192xi32, #tpu.memory_space<vmem>> -> memref<4096xi32, #tpu.memory_space<vmem>>
    %dma_wait3A_473 = arith.constant 12288 : i32
    %dma_wait3A_474 = tpu.memref_slice %arg2[%dma_wait3A_473] : memref<16384xi32, #tpu.memory_space<hbm>> -> memref<4096xi32, #tpu.memory_space<hbm>>
    %dma_wait3A_475 = arith.constant 4096 : i32
    %dma_wait3A_476 = tpu.memref_slice %arg10[%dma_wait3A_475] : memref<8192xi32, #tpu.memory_space<vmem>> -> memref<4096xi32, #tpu.memory_space<vmem>>
    %dma_wait3A_477 = arith.constant 12288 : i32
    %dma_wait3A_478 = tpu.memref_slice %arg2[%dma_wait3A_477] : memref<16384xi32, #tpu.memory_space<hbm>> -> memref<4096xi32, #tpu.memory_space<hbm>>
    tpu.wait_dma2 semaphore(%arg17 : memref<!tpu.dma_semaphore, #tpu.memory_space<semaphore_mem>>) src(%dma_wait3A_478 : memref<4096xi32, #tpu.memory_space<hbm>>) dst(%dma_wait3A_476 : memref<4096xi32, #tpu.memory_space<vmem>>)
    %dma_wait3A_479 = arith.constant 32 : i32
    %dma_wait3A_480 = arith.constant 0 : i32
    %dma_wait3A_481 = tpu.memref_slice %arg12[%dma_wait3A_479, %dma_wait3A_480] : memref<64x128xf32, #tpu.memory_space<vmem>> -> memref<32x128xf32, #tpu.memory_space<vmem>>
    %dma_wait3A_482 = arith.constant 32 : i32
    %dma_wait3A_483 = arith.constant 0 : i32
    %dma_wait3A_484 = tpu.memref_slice %arg8[%select_n3A_353, %dma_wait3A_482, %select_n3A_369, %dma_wait3A_483] : memref<6x128x8x128xf32, #tpu.memory_space<hbm>> -> memref<1x32x1x128xf32, #tpu.memory_space<hbm>>
    %dma_wait3A_485 = tpu.memref_squeeze %dma_wait3A_484 : memref<1x32x1x128xf32, #tpu.memory_space<hbm>> -> memref<32x128xf32, #tpu.memory_space<hbm>>
    %dma_wait3A_486 = arith.constant 32 : i32
    %dma_wait3A_487 = arith.constant 0 : i32
    %dma_wait3A_488 = tpu.memref_slice %arg8[%select_n3A_353, %dma_wait3A_486, %select_n3A_369, %dma_wait3A_487] : memref<6x128x8x128xf32, #tpu.memory_space<hbm>> -> memref<1x32x1x128xf32, #tpu.memory_space<hbm>>
    %dma_wait3A_489 = tpu.memref_squeeze %dma_wait3A_488 : memref<1x32x1x128xf32, #tpu.memory_space<hbm>> -> memref<32x128xf32, #tpu.memory_space<hbm>>
    %dma_wait3A_490 = arith.constant 32 : i32
    %dma_wait3A_491 = arith.constant 0 : i32
    %dma_wait3A_492 = tpu.memref_slice %arg12[%dma_wait3A_490, %dma_wait3A_491] : memref<64x128xf32, #tpu.memory_space<vmem>> -> memref<32x128xf32, #tpu.memory_space<vmem>>
    tpu.wait_dma2 semaphore(%arg19 : memref<!tpu.dma_semaphore, #tpu.memory_space<semaphore_mem>>) src(%dma_wait3A_492 : memref<32x128xf32, #tpu.memory_space<vmem>>) dst(%dma_wait3A_489 : memref<32x128xf32, #tpu.memory_space<hbm>>)
    %parallel_loop3A_493 = arith.constant 0 : i32
    %parallel_loop3A_494 = arith.constant 256 : i32
    %parallel_loop3A_495 = arith.constant 1 : i32
    scf.for %parallel_loop3A_578 = %parallel_loop3A_493 to %parallel_loop3A_494 step %parallel_loop3A_495  : i32 {
      %parallel_loop3A_579 = arith.constant 16 : i32
      %parallel_loop3A_580 = arith.muli %parallel_loop3A_578, %parallel_loop3A_579 : i32
      %parallel_loop3A_581 = arith.constant 4096 : i32
      %parallel_loop3A_582 = arith.addi %parallel_loop3A_581, %parallel_loop3A_580 : i32
      %parallel_loop3A_583 = arith.index_cast %parallel_loop3A_582 : i32 to index
      %parallel_loop3A_584 = tpu.vector_load %arg10[%parallel_loop3A_583] {strides = array<i32>} : memref<8192xi32, #tpu.memory_space<vmem>>, vector<16xi32>,
      %parallel_loop3A_585 = vector.broadcast %sub3A_21 : i32 to vector<16xi32>
      %parallel_loop3A_586 = arith.addi %parallel_loop3A_584, %parallel_loop3A_585 : vector<16xi32>
      %parallel_loop3A_587 = tpu.vector_load_idx %arg9[%parallel_loop3A_586] : memref<100008xf32, #tpu.memory_space<vmem>>[vector<16xi32>], vector<16xf32>,
      %parallel_loop3A_588 = arith.constant 8 : i32
      %parallel_loop3A_589 = arith.divsi %parallel_loop3A_578, %parallel_loop3A_588 : i32
      %parallel_loop3A_590 = arith.constant 0 : i32
      %parallel_loop3A_591 = arith.cmpi sgt, %parallel_loop3A_578, %parallel_loop3A_590 : i32
      %parallel_loop3A_592 = arith.extui %parallel_loop3A_591 : i1 to i32
      %parallel_loop3A_593 = arith.constant 0 : i32
      %parallel_loop3A_594 = arith.cmpi slt, %parallel_loop3A_578, %parallel_loop3A_593 : i32
      %parallel_loop3A_595 = arith.extui %parallel_loop3A_594 : i1 to i32
      %parallel_loop3A_596 = arith.subi %parallel_loop3A_592, %parallel_loop3A_595 : i32
      %parallel_loop3A_597 = arith.constant 0 : i32
      %parallel_loop3A_598 = arith.cmpi sgt, %parallel_loop3A_588, %parallel_loop3A_597 : i32
      %parallel_loop3A_599 = arith.extui %parallel_loop3A_598 : i1 to i32
      %parallel_loop3A_600 = arith.constant 0 : i32
      %parallel_loop3A_601 = arith.cmpi slt, %parallel_loop3A_588, %parallel_loop3A_600 : i32
      %parallel_loop3A_602 = arith.extui %parallel_loop3A_601 : i1 to i32
      %parallel_loop3A_603 = arith.subi %parallel_loop3A_599, %parallel_loop3A_602 : i32
      %parallel_loop3A_604 = arith.cmpi ne, %parallel_loop3A_596, %parallel_loop3A_603 : i32
      %parallel_loop3A_605 = arith.remsi %parallel_loop3A_578, %parallel_loop3A_588 : i32
      %parallel_loop3A_606 = arith.constant 0 : i32
      %parallel_loop3A_607 = arith.cmpi ne, %parallel_loop3A_605, %parallel_loop3A_606 : i32
      %parallel_loop3A_608 = arith.andi %parallel_loop3A_604, %parallel_loop3A_607 : i1
      %parallel_loop3A_609 = arith.constant 1 : i32
      %parallel_loop3A_610 = arith.subi %parallel_loop3A_589, %parallel_loop3A_609 : i32
      %parallel_loop3A_611 = arith.select %parallel_loop3A_608, %parallel_loop3A_610, %parallel_loop3A_589 : i32
      %parallel_loop3A_612 = arith.constant 32 : i32
      %parallel_loop3A_613 = arith.addi %parallel_loop3A_612, %parallel_loop3A_611 : i32
      %parallel_loop3A_614 = arith.constant 8 : i32
      %parallel_loop3A_615 = arith.constant 0 : i32
      %parallel_loop3A_616 = arith.cmpi eq, %parallel_loop3A_614, %parallel_loop3A_615 : i32
      %parallel_loop3A_617 = arith.constant 1 : i32
      %parallel_loop3A_618 = arith.select %parallel_loop3A_616, %parallel_loop3A_617, %parallel_loop3A_614 : i32
      %parallel_loop3A_619 = arith.remsi %parallel_loop3A_578, %parallel_loop3A_618 : i32
      %parallel_loop3A_620 = arith.constant 0 : i32
      %parallel_loop3A_621 = arith.cmpi ne, %parallel_loop3A_619, %parallel_loop3A_620 : i32
      %parallel_loop3A_622 = arith.constant 0 : i32
      %parallel_loop3A_623 = arith.cmpi slt, %parallel_loop3A_619, %parallel_loop3A_622 : i32
      %parallel_loop3A_624 = arith.constant 0 : i32
      %parallel_loop3A_625 = arith.cmpi slt, %parallel_loop3A_618, %parallel_loop3A_624 : i32
      %parallel_loop3A_626 = arith.xori %parallel_loop3A_623, %parallel_loop3A_625 : i1
      %parallel_loop3A_627 = arith.andi %parallel_loop3A_626, %parallel_loop3A_621 : i1
      %parallel_loop3A_628 = arith.addi %parallel_loop3A_619, %parallel_loop3A_618 : i32
      %parallel_loop3A_629 = arith.select %parallel_loop3A_627, %parallel_loop3A_628, %parallel_loop3A_619 : i32
      %parallel_loop3A_630 = arith.constant 16 : i32
      %parallel_loop3A_631 = arith.muli %parallel_loop3A_629, %parallel_loop3A_630 : i32
      %parallel_loop3A_632 = arith.index_cast %parallel_loop3A_613 : i32 to index
      %parallel_loop3A_633 = arith.index_cast %parallel_loop3A_631 : i32 to index
      %parallel_loop3A_634 = tpu.vector_load %arg12[%parallel_loop3A_632, %parallel_loop3A_633] {strides = array<i32>} : memref<64x128xf32, #tpu.memory_space<vmem>>, vector<16xf32>,
      tpu.vector_store %arg12[%parallel_loop3A_632, %parallel_loop3A_633], %parallel_loop3A_587 {strides = array<i32>} : memref<64x128xf32, #tpu.memory_space<vmem>>, vector<16xf32>,
    } {sc.loop_unroll_factor = 8 : i64, sc.parallel_access}
    %jit3A_496 = arith.constant 8 : i32
    %div3A_497 = arith.divsi %add3A, %jit3A_496 : i32
    %sign3A_498 = arith.constant 0 : i32
    %sign3A_499 = arith.cmpi sgt, %add3A, %sign3A_498 : i32
    %sign3A_500 = arith.extui %sign3A_499 : i1 to i32
    %sign3A_501 = arith.constant 0 : i32
    %sign3A_502 = arith.cmpi slt, %add3A, %sign3A_501 : i32
    %sign3A_503 = arith.extui %sign3A_502 : i1 to i32
    %sign3A_504 = arith.subi %sign3A_500, %sign3A_503 : i32
    %sign3A_505 = arith.constant 0 : i32
    %sign3A_506 = arith.cmpi sgt, %jit3A_496, %sign3A_505 : i32
    %sign3A_507 = arith.extui %sign3A_506 : i1 to i32
    %sign3A_508 = arith.constant 0 : i32
    %sign3A_509 = arith.cmpi slt, %jit3A_496, %sign3A_508 : i32
    %sign3A_510 = arith.extui %sign3A_509 : i1 to i32
    %sign3A_511 = arith.subi %sign3A_507, %sign3A_510 : i32
    %ne3A_512 = arith.cmpi ne, %sign3A_504, %sign3A_511 : i32
    %rem3A_513 = arith.remsi %add3A, %jit3A_496 : i32
    %ne3A_514 = arith.constant 0 : i32
    %ne3A_515 = arith.cmpi ne, %rem3A_513, %ne3A_514 : i32
    %and3A_516 = arith.andi %ne3A_512, %ne3A_515 : i1
    %sub3A_517 = arith.constant 1 : i32
    %sub3A_518 = arith.subi %div3A_497, %sub3A_517 : i32
    %select_n3A_519 = arith.select %and3A_516, %sub3A_518, %div3A_497 : i32
    %jit3A_520 = arith.constant 8 : i32
    %eq3A_521 = arith.constant 0 : i32
    %eq3A_522 = arith.cmpi eq, %jit3A_520, %eq3A_521 : i32
    %jit3A_523 = arith.constant 1 : i32
    %select_n3A_524 = arith.select %eq3A_522, %jit3A_523, %jit3A_520 : i32
    %rem3A_525 = arith.remsi %add3A, %select_n3A_524 : i32
    %ne3A_526 = arith.constant 0 : i32
    %ne3A_527 = arith.cmpi ne, %rem3A_525, %ne3A_526 : i32
    %lt3A_528 = arith.constant 0 : i32
    %lt3A_529 = arith.cmpi slt, %rem3A_525, %lt3A_528 : i32
    %lt3A_530 = arith.constant 0 : i32
    %lt3A_531 = arith.cmpi slt, %select_n3A_524, %lt3A_530 : i32
    %ne3A_532 = arith.xori %lt3A_529, %lt3A_531 : i1
    %and3A_533 = arith.andi %ne3A_532, %ne3A_527 : i1
    %add3A_534 = arith.addi %rem3A_525, %select_n3A_524 : i32
    %select_n3A_535 = arith.select %and3A_533, %add3A_534, %rem3A_525 : i32
    %dma_start3A_536 = arith.constant 32 : i32
    %dma_start3A_537 = arith.constant 0 : i32
    %dma_start3A_538 = tpu.memref_slice %arg12[%dma_start3A_536, %dma_start3A_537] : memref<64x128xf32, #tpu.memory_space<vmem>> -> memref<32x128xf32, #tpu.memory_space<vmem>>
    %dma_start3A_539 = arith.constant 96 : i32
    %dma_start3A_540 = arith.constant 0 : i32
    %dma_start3A_541 = tpu.memref_slice %arg8[%select_n3A_519, %dma_start3A_539, %select_n3A_535, %dma_start3A_540] : memref<6x128x8x128xf32, #tpu.memory_space<hbm>> -> memref<1x32x1x128xf32, #tpu.memory_space<hbm>>
    %dma_start3A_542 = tpu.memref_squeeze %dma_start3A_541 : memref<1x32x1x128xf32, #tpu.memory_space<hbm>> -> memref<32x128xf32, #tpu.memory_space<hbm>>
    %dma_start3A_543 = arith.constant 96 : i32
    %dma_start3A_544 = arith.constant 0 : i32
    %dma_start3A_545 = tpu.memref_slice %arg8[%select_n3A_519, %dma_start3A_543, %select_n3A_535, %dma_start3A_544] : memref<6x128x8x128xf32, #tpu.memory_space<hbm>> -> memref<1x32x1x128xf32, #tpu.memory_space<hbm>>
    %dma_start3A_546 = tpu.memref_squeeze %dma_start3A_545 : memref<1x32x1x128xf32, #tpu.memory_space<hbm>> -> memref<32x128xf32, #tpu.memory_space<hbm>>
    %dma_start3A_547 = arith.constant 32 : i32
    %dma_start3A_548 = arith.constant 0 : i32
    %dma_start3A_549 = tpu.memref_slice %arg12[%dma_start3A_547, %dma_start3A_548] : memref<64x128xf32, #tpu.memory_space<vmem>> -> memref<32x128xf32, #tpu.memory_space<vmem>>
    tpu.enqueue_dma source(%dma_start3A_549 : memref<32x128xf32, #tpu.memory_space<vmem>>) target(%dma_start3A_546 : memref<32x128xf32, #tpu.memory_space<hbm>>) target_semaphore(%arg19 : memref<!tpu.dma_semaphore, #tpu.memory_space<semaphore_mem>>)
    %dma_wait3A_550 = arith.constant 0 : i32
    %dma_wait3A_551 = arith.constant 0 : i32
    %dma_wait3A_552 = tpu.memref_slice %arg12[%dma_wait3A_550, %dma_wait3A_551] : memref<64x128xf32, #tpu.memory_space<vmem>> -> memref<32x128xf32, #tpu.memory_space<vmem>>
    %dma_wait3A_553 = arith.constant 64 : i32
    %dma_wait3A_554 = arith.constant 0 : i32
    %dma_wait3A_555 = tpu.memref_slice %arg8[%select_n3A_440, %dma_wait3A_553, %select_n3A_456, %dma_wait3A_554] : memref<6x128x8x128xf32, #tpu.memory_space<hbm>> -> memref<1x32x1x128xf32, #tpu.memory_space<hbm>>
    %dma_wait3A_556 = tpu.memref_squeeze %dma_wait3A_555 : memref<1x32x1x128xf32, #tpu.memory_space<hbm>> -> memref<32x128xf32, #tpu.memory_space<hbm>>
    %dma_wait3A_557 = arith.constant 64 : i32
    %dma_wait3A_558 = arith.constant 0 : i32
    %dma_wait3A_559 = tpu.memref_slice %arg8[%select_n3A_440, %dma_wait3A_557, %select_n3A_456, %dma_wait3A_558] : memref<6x128x8x128xf32, #tpu.memory_space<hbm>> -> memref<1x32x1x128xf32, #tpu.memory_space<hbm>>
    %dma_wait3A_560 = tpu.memref_squeeze %dma_wait3A_559 : memref<1x32x1x128xf32, #tpu.memory_space<hbm>> -> memref<32x128xf32, #tpu.memory_space<hbm>>
    %dma_wait3A_561 = arith.constant 0 : i32
    %dma_wait3A_562 = arith.constant 0 : i32
    %dma_wait3A_563 = tpu.memref_slice %arg12[%dma_wait3A_561, %dma_wait3A_562] : memref<64x128xf32, #tpu.memory_space<vmem>> -> memref<32x128xf32, #tpu.memory_space<vmem>>
    tpu.wait_dma2 semaphore(%arg19 : memref<!tpu.dma_semaphore, #tpu.memory_space<semaphore_mem>>) src(%dma_wait3A_563 : memref<32x128xf32, #tpu.memory_space<vmem>>) dst(%dma_wait3A_560 : memref<32x128xf32, #tpu.memory_space<hbm>>)
    %dma_wait3A_564 = arith.constant 32 : i32
    %dma_wait3A_565 = arith.constant 0 : i32
    %dma_wait3A_566 = tpu.memref_slice %arg12[%dma_wait3A_564, %dma_wait3A_565] : memref<64x128xf32, #tpu.memory_space<vmem>> -> memref<32x128xf32, #tpu.memory_space<vmem>>
    %dma_wait3A_567 = arith.constant 96 : i32
    %dma_wait3A_568 = arith.constant 0 : i32
    %dma_wait3A_569 = tpu.memref_slice %arg8[%select_n3A_519, %dma_wait3A_567, %select_n3A_535, %dma_wait3A_568] : memref<6x128x8x128xf32, #tpu.memory_space<hbm>> -> memref<1x32x1x128xf32, #tpu.memory_space<hbm>>
    %dma_wait3A_570 = tpu.memref_squeeze %dma_wait3A_569 : memref<1x32x1x128xf32, #tpu.memory_space<hbm>> -> memref<32x128xf32, #tpu.memory_space<hbm>>
    %dma_wait3A_571 = arith.constant 96 : i32
    %dma_wait3A_572 = arith.constant 0 : i32
    %dma_wait3A_573 = tpu.memref_slice %arg8[%select_n3A_519, %dma_wait3A_571, %select_n3A_535, %dma_wait3A_572] : memref<6x128x8x128xf32, #tpu.memory_space<hbm>> -> memref<1x32x1x128xf32, #tpu.memory_space<hbm>>
    %dma_wait3A_574 = tpu.memref_squeeze %dma_wait3A_573 : memref<1x32x1x128xf32, #tpu.memory_space<hbm>> -> memref<32x128xf32, #tpu.memory_space<hbm>>
    %dma_wait3A_575 = arith.constant 32 : i32
    %dma_wait3A_576 = arith.constant 0 : i32
    %dma_wait3A_577 = tpu.memref_slice %arg12[%dma_wait3A_575, %dma_wait3A_576] : memref<64x128xf32, #tpu.memory_space<vmem>> -> memref<32x128xf32, #tpu.memory_space<vmem>>
    tpu.wait_dma2 semaphore(%arg19 : memref<!tpu.dma_semaphore, #tpu.memory_space<semaphore_mem>>) src(%dma_wait3A_577 : memref<32x128xf32, #tpu.memory_space<vmem>>) dst(%dma_wait3A_574 : memref<32x128xf32, #tpu.memory_space<hbm>>)
    return
  }
}

</mosaic_0001>

<sc_bundles>
// kernel: kernel.3.cloned.1.call-start
scs
__scs_entry_jumppad:
0x0: {  	(pc) =	sbr.rel $0x88, $3  }
0x1: {  	(tag) =	ssettag $0x0;
	lr =	simm.s32 $0x1  }
0x2: {  	[smem:$0x3F9B] =	sst lr;
	_ =	strace $0xD0000000  }
0x3: {  	_ = 	snop  }
0x4: {  	_ = 	snop  }
0x5: {  	_ = 	snop  }
0x6: {  	_ = 	snop  }
0x7: {  	_ = 	snop  }
__scs_overlays_trampoline_lowered:
0x8: {  	[smem:$0x3FAA] =	sst s0  }
0x9: {  	[smem:$0x3FAB] =	sst s1  }
0xa: {  	[smem:$0x3FAC] =	sst s2  }
0xb: {  	[smem:$0x3FAD] =	sst s3  }
0xc: {  	[smem:$0x3FAE] =	sst s4  }
0xd: {  	[smem:$0x3FAF] =	sst s5  }
0xe: {  	[smem:$0x3FB0] =	sst s6  }
0xf: {  	[smem:$0x3FB1] =	sst s7  }
0x10: {  	[smem:$0x3FB2] =	sst s8  }
0x11: {  	[smem:$0x3FB3] =	sst s9;
	s0 =	simm.s32 @!p0 $0x0  }
0x12: {  	s1 =	sld [smem:$0x3F99];
	s0 =	simm.s32 @p0 $0x1  }
0x13: {  	[smem:$0x3FB4] =	sst s0;
	s0 =	simm.s32 @!p1 $0x0  }
0x14: {  	s2 =	sld [smem:$0x3F98];
	s0 =	simm.s32 @p1 $0x1  }
0x15: {  	[smem:$0x3FB5] =	sst s0;
	s0 =	simm.s32 @!p2 $0x0  }
0x16: {  	s3 =	sld [smem:$0x3FDB];
	s0 =	simm.s32 @p2 $0x1  }
0x17: {  	s4 =	simm.s32 $0x1BF5;
	[smem:$0x3FB7] =	sst s0  }
0x18: {  	s0 =	sld [smem:$0x3F9A];
	_ =	swait.ge [sflag:s4], $0x0  }
0x19: {  	s7 =	sld [smem:$0x3F9B]  }
0x1a: {  	s8 =	sadd.s32 $0xFFFFE003, lr  }
0x1b: {  	s9 =	sadd.s32 $0xFFFFFEF7, lr;
	s5 =	simm.s32 $0xFFFFFFFF;
	p2 =	slt.u32 s8, $0xFFFFF086  }
0x1c: {  	p1 =	slt.u32 s9, $0xF7A;
	s5 =	simm.s32 @!p2 $0x0  }
0x1d: {  	s5 =	simm.s32 @p1 $0x1;
	p0 =	seq.s32 s7, s2  }
0x1e: {  	s7 =	smul.u32 @!p0 $0xF7A, s2;
	p2 =	seq.s32 @!p0 s5, $0x0  }
0x1f: {  	s9 =	smul.u32 $0xF7A, s1;
	s8 =	simm.s32 @!p0 $0x1BF5;
	p2 =	por !p2, p0  }
0x20: {  	[sflag:s8] =	ssyncset.s32 @!p0 $0xFFFFF086;
	s6 =	sadd.s32 @!p0 s3, s7;
	s7 =	simm.s32 @!p0 $0x108  }
0x21: {  	s3 =	sadd.s32 s3, s9;
	s6 =	sadd.s32 @!p0 $0x88, s6;
	s7 =	simm.s32 @p2 $0x1082  }
0x22: {  	[simem:s7], [sflag:s8] =	dma.local @!p0 [hbm:s6], $0xF7A  }
0x23: {  	s9 =	sor.u32 $0xD0000000, s2;
	s6 =	simm.s32 $0x108;
	_ =	swait.ge @!p0 [sflag:s8], $0x0  }
0x24: {  	s3 =	sadd.s32 $0x88, s3;
	s6 =	simm.s32 @!p1 $0x1082;
	[sflag:s4] =	ssyncset.s32 $0xFFFFF086  }
0x25: {  	[simem:s6], [sflag:s4] =	dma.local [hbm:s3], $0xF7A  }
0x26: {  	[smem:$0x3F9B] =	sst s1;
	(tag) =	ssettag s2;
	_ =	strace s9  }
0x27: {  	s1 =	sld [smem:$0x3FAB]  }
0x28: {  	s2 =	sld [smem:$0x3FAC]  }
0x29: {  	s4 =	sld [smem:$0x3FAE]  }
0x2a: {  	p0 =	seq.s32 s5, $0x0;
	s5 =	sld [smem:$0x3FAF]  }
0x2b: {  	s6 =	sld [smem:$0x3FB0]  }
0x2c: {  	s7 =	sld [smem:$0x3FB1]  }
0x2d: {  	s3 =	simm.s32 $0x108;
	s8 =	sld [smem:$0x3FB2]  }
0x2e: {  	s3 =	simm.s32 @!p0 $0x1082;
	s9 =	sld [smem:$0x3FB3]  }
0x2f: {  	lr =	sadd.s32 s0, s3;
	s0 =	sld [smem:$0x3FAA]  }
0x30: {  	s3 =	sld [smem:$0x3FAD]  }
0x31: {  	[smem:$0x3FB6] =	sst s10  }
0x32: {  	s10 =	sld [smem:$0x3FB4];
	_ =	sdelay $0x3  }
0x33: {  	p0 =	seq.s32 s10, $0x1;
	s10 =	sld [smem:$0x3FB6];
	_ =	sdelay $0x3  }
0x34: {  	[smem:$0x3FB6] =	sst s10  }
0x35: {  	s10 =	sld [smem:$0x3FB5];
	_ =	sdelay $0x3  }
0x36: {  	p1 =	seq.s32 s10, $0x1;
	s10 =	sld [smem:$0x3FB6];
	_ =	sdelay $0x3  }
0x37: {  	[smem:$0x3FB6] =	sst s10  }
0x38: {  	s10 =	sld [smem:$0x3FB7]  }
0x39: {  	_ = 	snop;
	(pc) =	sbr.ind lr, $3  }
0x3a: {  	_ = 	snop  }
0x3b: {  	_ = 	snop  }
0x3c: {  	p2 =	seq.s32 s10, $0x1;
	s10 =	sld [smem:$0x3FB6]  }
0x3d: {  	_ =	shalt  }
0x3e: {  	_ =	shalt  }
0x3f: {  	_ =	shalt  }
0x40: {  	_ =	shalt  }
0x41: {  	_ =	shalt  }
0x42: {  	_ =	shalt  }
0x43: {  	_ =	shalt  }
0x44: {  	_ =	shalt  }
0x45: {  	_ =	shalt  }
0x46: {  	_ =	shalt  }
0x47: {  	_ =	shalt  }
0x48: {  	_ =	shalt  }
0x49: {  	_ =	shalt  }
0x4a: {  	_ =	shalt  }
0x4b: {  	_ =	shalt  }
0x4c: {  	_ =	shalt  }
0x4d: {  	_ =	shalt  }
0x4e: {  	_ =	shalt  }
0x4f: {  	_ =	shalt  }
0x50: {  	_ =	shalt  }
0x51: {  	_ =	shalt  }
0x52: {  	_ =	shalt  }
0x53: {  	_ =	shalt  }
0x54: {  	_ =	shalt  }
0x55: {  	_ =	shalt  }
0x56: {  	_ =	shalt  }
0x57: {  	_ =	shalt  }
0x58: {  	_ =	shalt  }
0x59: {  	_ =	shalt  }
0x5a: {  	_ =	shalt  }
0x5b: {  	_ =	shalt  }
0x5c: {  	_ =	shalt  }
0x5d: {  	_ =	shalt  }
0x5e: {  	_ =	shalt  }
0x5f: {  	_ =	shalt  }
0x60: {  	_ =	shalt  }
0x61: {  	_ =	shalt  }
0x62: {  	_ =	shalt  }
0x63: {  	_ =	shalt  }
0x64: {  	_ =	shalt  }
0x65: {  	_ =	shalt  }
0x66: {  	_ =	shalt  }
0x67: {  	_ =	shalt  }
0x68: {  	_ =	shalt  }
0x69: {  	_ =	shalt  }
0x6a: {  	_ =	shalt  }
0x6b: {  	_ =	shalt  }
0x6c: {  	_ =	shalt  }
0x6d: {  	_ =	shalt  }
0x6e: {  	_ =	shalt  }
0x6f: {  	_ =	shalt  }
0x70: {  	_ =	shalt  }
0x71: {  	_ =	shalt  }
0x72: {  	_ =	shalt  }
0x73: {  	_ =	shalt  }
0x74: {  	_ =	shalt  }
0x75: {  	_ =	shalt  }
0x76: {  	_ =	shalt  }
0x77: {  	_ =	shalt  }
0x78: {  	_ =	shalt  }
0x79: {  	_ =	shalt  }
0x7a: {  	_ =	shalt  }
0x7b: {  	_ =	shalt  }
0x7c: {  	_ =	shalt  }
0x7d: {  	_ =	shalt  }
0x7e: {  	_ =	shalt  }
0x7f: {  	_ =	shalt  }
0x80: {  	_ =	shalt  }
0x81: {  	_ =	shalt  }
0x82: {  	_ =	shalt  }
0x83: {  	_ =	shalt  }
0x84: {  	_ =	shalt  }
0x85: {  	_ =	shalt  }
0x86: {  	_ =	shalt  }
0x87: {  	_ =	shalt  }
.Lfunc_end0:
.L_simem_size_0:
called_computation_lowered:
.L_overlay_start_0:
0x88: {  	s2 =	sld [smem:$0x3FD9]  }
0x89: {  	s3 =	sld [smem:$0x3FFE];
	_ =	sdelay $0x1  }
0x8a: {  	s1 =	srdreg.scid  }
0x8b: {  	s0 =	sand.u32 $0x1, s1  }
0x8c: {  	s17 =	sshll.u32 s0, $0xA;
	s2 =	sadd.s32 s3, s2  }
0x8d: {  	s2 =	sadd.s32 s2, s17  }
0x8e: {  	[smem:$0x3FC2] =	sst s2  }
0x8f: {  	_ = 	snop  }
0x90: {  	s2 =	sld [smem:$0x3FC9]  }
0x91: {  	s18 =	sld [smem:$0x3FC8]  }
0x92: {  	s4 =	sld [smem:$0x3FC7]  }
0x93: {  	s5 =	sld [smem:$0x3FD0];
	(tm) =	ssettm $0x1  }
0x94: {  	s6 =	sld [smem:$0x3FFB];
	_ =	sdelay $0x3  }
0x95: {  	_ =	strace s6  }
0x96: {  	s6 =	sld [smem:$0x3FFC];
	_ =	sdelay $0x3  }
0x97: {  	_ =	strace s6  }
0x98: {  	s6 =	sld [smem:$0x3FFD];
	_ =	sdelay $0x3  }
0x99: {  	_ =	strace s6  }
0x9a: {  	_ =	strace $0x8FFFFFFF  }
0x9b: {  	s19 =	sld [smem:$0x3FDB];
	_ =	sdelay $0x1  }
0x9c: {  	s7 =	simm.s32 $_scs_section_size  }
0x9d: {  	s8 =	simm.s32 $_size__tile_overlayer_lowered;
	s9 =	simm.s32 $_tile_overlayer_lowered  }
0x9e: {  	s22 =	simm.s32 $0x1BFF;
	s21 =	sshll.u32 s9, $0x1;
	s6 =	sadd.s32 s7, s19  }
0x9f: {  	s10 =	simm.s32 $0x0;
	s20 =	sshll.u32 s8, $0x1;
	s8 =	sadd.s32 s21, s6  }
0xa0: {  	[timem:s10], [sflag:s22] =	dma.local [hbm:s8], s20  }
0xa1: {  	_ =	swait.ge [sflag:s22], s20  }
0xa2: {  	s7 =	ssub.s32 $0x0, s20;
	[sflag:s22] =	ssyncset.done $0x0  }
0xa3: {  	[sflag:s22] =	ssyncadd.s32 s7;
	_ =	sdelay $0x1  }
0xa4: {  	s23 =	simm.s32 $0x1B8B  }
0xa5: {  	_ =	swait.ge [sflag:s23], $0x1  }
0xa6: {  	[sflag:s23] =	ssyncset.done $0x0  }
0xa7: {  	s25 =	simm.s32 $0x1B8E;
	s24 =	sld [smem:$0x3FFE];
	[sflag:s23] =	ssyncadd.s32 $0xFFFFFFFF  }
0xa8: {  	s26 =	simm.s32 $execute0_lowered;
	[smem:$0x3FD2] =	sst s25  }
0xa9: {  	s8 =	sshll.u32 s26, $0x1;
	_ =	strace $0x80000046;
	[dreg:$0x1] =	wrdreg $0xFFFFFFFF  }
0xaa: {  	s28 =	simm.s32 $_size_execute0_lowered;
	s6 =	sadd.s32 s6, s8;
	[dreg:$0x0] =	wrdreg $0x0  }
0xab: {  	s8 =	sshll.u32 s28, $0x1;
	[dreg:$0x2] =	wrdreg s6  }
0xac: {  	[dreg:$0x3] =	wrdreg s8  }
0xad: {  	[dreg:$0x4] =	wrdreg $0xC0  }
0xae: {  	_ =	task [dreg:s10], $0x5FFFF  }
0xaf: {  	[dreg:$0x1] =	wrdreg $0xFFFFFFFF  }
0xb0: {  	[dreg:$0x0] =	wrdreg $0x60  }
0xb1: {  	[dreg:$0x2] =	wrdreg s2  }
0xb2: {  	[dreg:$0x3] =	wrdreg s18  }
0xb3: {  	[dreg:$0x4] =	wrdreg s4  }
0xb4: {  	[dreg:$0x5] =	wrdreg s24  }
0xb5: {  	[dreg:$0x6] =	wrdreg s5  }
0xb6: {  	[dreg:$0x7] =	wrdreg $0x9  }
0xb7: {  	_ =	task.clear_ibuf [dreg:s10], $0x8FFFF;
	_ =	strace $0x90000046  }
0xb8: {  	s29 =	simm.s32 $0x9;
	_ =	strace $0x80000048  }
0xb9: {  	_ =	swait.ge [sflag:s29], $0x1  }
0xba: {  	[sflag:s29] =	ssyncadd.s32 $0xFFFFFFFF  }
0xbb: {  	_ =	strace $0x90000048  }
0xbc: {  	_ =	sfence  }
0xbd: {  	s30 =	sld [smem:$0x0];
	_ =	sdelay $0x2  }
0xbe: {  	s31 =	sshll.u32 s1, $0xD;
	s1 =	sshrl.u32 s1, $0x2  }
0xbf: {  	s3 =	sand.u32 $0x4000, s31;
	s1 =	sadd.s32 s1, s30  }
0xc0: {  	s0 =	sor.u32 s3, s0;
	s1 =	sshll.u32 s1, $0x11  }
0xc1: {  	s0 =	sor.u32 s1, s0  }
0xc2: {  	s0 =	sadd.s32 $0x8F2B, s0  }
0xc3: {  	[sflag:s0] =	ssyncadd.remote.s32 $0x1  }
0xc4: {  	_ =	sfence.sel $0xFFFF  }
0xc5: {  	[dreg:$0x0] =	wrdreg $0xFFFFFFFF;
	(pc) =	sbr.abs _section_cstart, $3  }
0xc6: {  	[dreg:$0x1] =	wrdreg $0xFFFFFFFF  }
0xc7: {  	_ =	task.clear_ibuf [dreg:s10], $0x2FFFF;
	_ =	strace $0x9FFFFFFF  }
0xc8: {  	(tm) =	ssettm $0x7FFFFFFF  }
0xc9: {  	_ =	shalt  }
tec
execute0_lowered:
.L_overlay_start_1:
0x0: {  	(tag) =	ssettag $0x1  }
0x1: {  	s16 =	rddreg [dreg:$0x0]  }
0x2: {  	s15 =	rddreg [dreg:$0x1]  }
0x3: {  	s1 =	srdreg.scid;
	s2 =	rddreg [dreg:$0x2]  }
0x4: {  	s0 =	stileid.u32;
	s5 =	rddreg [dreg:$0x3]  }
0x5: {  	s9 =	rddreg [dreg:$0x4];
	s19 =	simm.s32 $0x186A8;
	s20 =	simm.s32 $0x196A8  }
0x6: {  	s21 =	simm.s32 $0x1E6A8;
	s28 =	simm.s32 $0x1C6A8;
	s29 =	simm.s32 $0x1D6A8  }
0x7: {  	s30 =	simm.s32 $0x1;
	s31 =	simm.s32 $0x2;
	s1 =	sand.u32 $0x1, s1  }
0x8: {  	s3 =	sshll.u32 s0, $0x1;
	s22 =	sshrl.u32 s0, $0x3;
	s11 =	sshll.u32 s0, $0xC  }
0x9: {  	s8 =	sor.u32 s1, s3;
	s3 =	simm.s32 $0x0;
	s1 =	ssub.s32 $0x2, s1  }
0xa: {  	s12 =	sshll.u32 s22, $0xD;
	s13 =	sand.u32 $0x4000, s11;
	s6 =	smul.u32 $0x186A1, s8  }
0xb: {  	[smem:$0x7FF] =	sst s3;
	s10 =	sshrl.u32 s1, $0x1;
	s14 =	sshll.u32 s8, $0x4  }
0xc: {  	s8 =	sand.u32 $0xF, s8;
	s12 =	sor.u32 s12, s13;
	s13 =	sadd.s32 $0x400, s16  }
0xd: {  	_ =	strace $0x80000047;
	s1 =	ssub.s32 s1, s10;
	s24 =	sand.u32 $0x70, s14  }
0xe: {  	s10 =	sshll.u32 s22, $0xA;
	s0 =	sadd.s32 $0xFFFFFFF8, s8;
	s25 =	sor.u32 s11, s14  }
0xf: {  	p0 =	sgt.u32 s8, $0x7;
	s22 =	simm.s32 $0x1E6C0;
	s4 =	sshrl.u32 s6, $0x3  }
0x10: {  	s23 =	sand.u32 $0x7, s6;
	s12 =	sor.u32 s24, s12;
	s2 =	sadd.s32 s2, s10  }
0x11: {  	s10 =	sadd.s32 s15, s10;
	s15 =	sadd.s32 $0x600, s16;
	s18 =	smax.u32 s1, $0x1  }
0x12: {  	s24 =	simm.s32 $0x4;
	v0 =	vmov s0;
	s0 =	simm.s32 $0x3;
	s7 =	sadd.s32 s4, s5  }
0x13: {  	s4 =	sadd.s32 $0x400, s5;
	s5 =	sadd.s32 $0x600, s5;
	[dreg:$0x6] =	wrdreg s2  }
0x14: {  	s26 =	sadd.s32 s12, s9;
	[dreg:$0x7] =	wrdreg s10;
	s2 =	sand.u32 $0xC070, s25  }
0x15: {  	s25 =	simm.s32 $0x80;
	v2 =	vmov s23;
	s23 =	simm.s32 $0x0;
	s6 =	sadd.s32 $0x800, s7  }
0x16: {  	s7 =	sadd.s32 $0x200, s16;
	s10 =	sadd.s32 $0x10000, s26;
	s11 =	sadd.s32 $0x11000, s26  }
0x17: {  	s12 =	sadd.s32 s9, s2;
	s26 =	simm.s32 $0x400;
	s2 =	simm.s32 $0x5  }
0x18: {  	v1 =	vmov s8;
	s14 =	sadd.s32 $0x1000, s12;
	s16 =	sadd.s32 $0x2000, s12;
	s17 =	sadd.s32 $0x3000, s12  }
.LBB2_1:
0x19: {  	[tilespmem:s3], [sflag:$0x1] =	stream.linear.gather [hbm4b:s6+s3], $0x186A8, $0x38;
	[tilespmem:$0x1E770] =	vst v63  }
0x1a: {  	s1 =	rddreg [dreg:$0x0]  }
0x1b: {  	[tilespmem:s19], [sflag:$0x2] =	stream.linear.gather [hbm4b:s1+s3], $0x1000, $0x38;
	[tilespmem:$0x1E770] =	vst v63  }
0x1c: {  	_ = 	snop  }
0x1d: {  	[tilespmem:s20], [sflag:$0x3] =	stream.linear.gather [hbm4b:s7+s3], $0x1000, $0x38;
	[tilespmem:$0x1E770] =	vst v63  }
.Ltmp0:
0x1e: {  	_ = 	snop;
	(pc) =	sbr.rel @p0 .LBB2_5-.Ltmp0, $4  }
0x1f: {  	_ = 	snop  }
0x20: {  	[tilespmem:s21], [sflag:$0x4] =	stream.linear.gather [hbm4b:s4+s3], $0x18, $0x38;
	[tilespmem:$0x1E770] =	vst v63  }
0x21: {  	_ = 	snop  }
0x22: {  	[tilespmem:s22], [sflag:$0x4] =	stream.linear.gather [hbm4b:s5+s3], $0xB0, $0x38;
	[tilespmem:$0x1E770] =	vst v63  }
0x23: {  	s1 =	rddreg [dreg:$0x7];
	s8 =	simm.s32 $0x1A6A8  }
0x24: {  	[tilespmem:s8], [sflag:$0x4] =	stream.linear.gather [hbm4b:s1+s3], $0x2000, $0x38;
	[tilespmem:$0x1E770] =	vst v63  }
0x25: {  	_ =	swait.ge [sflag:s24], $0x18  }
0x26: {  	[sflag:s24] =	ssyncset.done $0x0  }
0x27: {  	[sflag:s24] =	ssyncadd.s32 $0xFFFFFFE8  }
0x28: {  	_ =	swait.ge [sflag:s24], $0xB0  }
0x29: {  	[sflag:s24] =	ssyncset.done $0x0  }
0x2a: {  	[sflag:s24] =	ssyncadd.s32 $0xFFFFFF50  }
0x2b: {  	_ =	swait.ge [sflag:s24], $0x2000  }
0x2c: {  	[sflag:s24] =	ssyncset.done $0x0  }
0x2d: {  	s8 =	simm.s32 $0x1A6E8;
	[sflag:s24] =	ssyncadd.s32 $0xFFFFE000  }
0x2e: {  	v3 =	vld [tilespmem:s8+$0x30]  }
0x2f: {  	v6 =	vld [tilespmem:s8+$0xFFFFFFF0]  }
0x30: {  	v7 =	vld [tilespmem:s8+$0x0]  }
0x31: {  	v4 =	vld [tilespmem:s8+$0xFFFFFFD0]  }
0x32: {  	v5 =	vld [tilespmem:s8+$0xFFFFFFE0]  }
0x33: {  	v8 =	vld [tilespmem:s8+$0x10]  }
0x34: {  	v9 =	vld [tilespmem:s8+$0x20];
	v6 =	vshll.u32 v6, $0x3  }
0x35: {  	s9 =	simm.s32 $0x1A768;
	v10 =	vld [tilespmem:s8+$0xFFFFFFC0];
	v7 =	vshll.u32 v7, $0x3;
	v6 =	vor.u32 v1, v6  }
0x36: {  	v13 =	vld [tilespmem:s9+$0xFFFFFFE0];
	v7 =	vor.u32 v1, v7  }
0x37: {  	v14 =	vld [tilespmem:s9+$0xFFFFFFF0]  }
0x38: {  	v15 =	vld [tilespmem:s9+$0x0];
	v3 =	vshll.u32 v3, $0x3  }
0x39: {  	v16 =	vld [tilespmem:s9+$0x10];
	v4 =	vshll.u32 v4, $0x3;
	v3 =	vor.u32 v1, v3  }
0x3a: {  	v5 =	vshll.u32 v5, $0x3;
	v4 =	vor.u32 v1, v4;
	v11 =	vld.idx.msk [tilespmem:v6+s21+$0x0], $0xffff  }
0x3b: {  	v5 =	vor.u32 v1, v5;
	v12 =	vld.idx.msk [tilespmem:v7+s21+$0x0], $0xffff  }
0x3c: {  	v6 =	vld [tilespmem:s9+$0x30]  }
0x3d: {  	v10 =	vshll.u32 v10, $0x3;
	v7 =	vld [tilespmem:s9+$0xFFFFFFD0]  }
0x3e: {  	v8 =	vshll.u32 v8, $0x3;
	v10 =	vor.u32 v1, v10;
	v3 =	vld.idx.msk [tilespmem:v3+s21+$0x0], $0xffff  }
0x3f: {  	v9 =	vshll.u32 v9, $0x3;
	v8 =	vor.u32 v1, v8;
	v4 =	vld.idx.msk [tilespmem:v4+s21+$0x0], $0xffff  }
0x40: {  	v13 =	vshll.u32 v13, $0x3;
	v9 =	vor.u32 v1, v9;
	v5 =	vld.idx.msk [tilespmem:v5+s21+$0x0], $0xffff  }
0x41: {  	v17 =	vld [tilespmem:s9+$0x20];
	v13 =	vor.u32 v1, v13;
	v6 =	vshll.u32 v6, $0x3  }
0x42: {  	v18 =	vld [tilespmem:s9+$0xFFFFFFC0];
	s8 =	simm.s32 $0x1C6E8;
	v7 =	vshll.u32 v7, $0x3;
	v6 =	vor.u32 v1, v6  }
0x43: {  	v14 =	vshll.u32 v14, $0x3;
	v19 =	vld.idx.msk [tilespmem:v10+s21+$0x0], $0xffff;
	[tilespmem:s8+$0x30] =	vst v3;
	v7 =	vor.u32 v1, v7  }
0x44: {  	v10 =	vor.u32 v1, v14;
	v63 =	vld.idx.msk [tilespmem:v8+s21+$0x0], $0xffff;
	v3 =	vshll.u32 v15, $0x3;
	[tilespmem:s8+$0xFFFFFFD0] =	vst v4  }
0x45: {  	v8 =	vld.idx.msk [tilespmem:v9+s21+$0x0], $0xffff;
	[tilespmem:s8+$0xFFFFFFE0] =	vst v5;
	v15 =	vor.u32 v1, v3  }
0x46: {  	v9 =	vld.idx.msk [tilespmem:v13+s21+$0x0], $0xffff;
	[tilespmem:s8+$0xFFFFFFF0] =	vst v11  }
0x47: {  	[tilespmem:s8+$0x0] =	vst v12;
	v6 =	vld.idx.msk [tilespmem:v6+s21+$0x0], $0xffff  }
0x48: {  	[tilespmem:s8+$0xFFFFFFC0] =	vst v19;
	v7 =	vld.idx.msk [tilespmem:v7+s21+$0x0], $0xffff  }
0x49: {  	v4 =	vshll.u32 v17, $0x3;
	v5 =	vshll.u32 v18, $0x3;
	v10 =	vld.idx.msk [tilespmem:v10+s21+$0x0], $0xffff;
	[tilespmem:s8+$0x10] =	vst v63;
	v3 =	vshll.u32 v16, $0x3  }
0x4a: {  	s1 =	simm.s32 $0x1A7E8;
	s9 =	simm.s32 $0x8;
	v4 =	vor.u32 v1, v4;
	v5 =	vor.u32 v1, v5;
	v3 =	vor.u32 v1, v3;
	v11 =	vld.idx.msk [tilespmem:v15+s21+$0x0], $0xffff  }
.LBB2_3:
0x4b: {  	v12 =	vld [tilespmem:s1+$0x30];
	s9 =	sadd.s32 $0x8, s9;
	[tilespmem:s8+$0x20] =	vst v8;
	s8 =	sadd.s32 $0x80, s8  }
0x4c: {  	v8 =	vld [tilespmem:s1+$0xFFFFFFD0];
	p1 =	slt.u32 s9, $0x1F8;
	[tilespmem:s8+$0x30] =	vst v6  }
0x4d: {  	v6 =	vld [tilespmem:s1+$0xFFFFFFE0];
	[tilespmem:s8+$0xFFFFFFD0] =	vst v7  }
0x4e: {  	v7 =	vld [tilespmem:s1+$0xFFFFFFF0];
	[tilespmem:s8+$0xFFFFFFE0] =	vst v9  }
0x4f: {  	v9 =	vld [tilespmem:s1+$0x0];
	[tilespmem:s8+$0xFFFFFFF0] =	vst v10  }
0x50: {  	v10 =	vld [tilespmem:s1+$0x10];
	v12 =	vshll.u32 v12, $0x3;
	[tilespmem:s8+$0x0] =	vst v11  }
0x51: {  	v8 =	vshll.u32 v8, $0x3;
	v11 =	vld [tilespmem:s1+$0x20];
	v12 =	vor.u32 v1, v12  }
0x52: {  	v13 =	vld [tilespmem:s1+$0xFFFFFFC0];
	v14 =	vor.u32 v1, v8;
	v6 =	vshll.u32 v6, $0x3  }
0x53: {  	v15 =	vor.u32 v1, v6;
	v6 =	vshll.u32 v7, $0x3;
	v16 =	vld.idx.msk [tilespmem:v5+s21+$0x0], $0xffff  }
0x54: {  	v17 =	vor.u32 v1, v6;
	v5 =	vshll.u32 v9, $0x3;
	v18 =	vld.idx.msk [tilespmem:v3+s21+$0x0], $0xffff  }
0x55: {  	v19 =	vor.u32 v1, v5;
	v3 =	vshll.u32 v10, $0x3;
	v8 =	vld.idx.msk [tilespmem:v4+s21+$0x0], $0xffff  }
.Ltmp1:
0x56: {  	v3 =	vor.u32 v1, v3;
	v4 =	vshll.u32 v11, $0x3;
	v6 =	vld.idx.msk [tilespmem:v12+s21+$0x0], $0xffff;
	(pc) =	sbr.rel @p1 .LBB2_3-.Ltmp1, $4  }
0x57: {  	v5 =	vshll.u32 v13, $0x3;
	v7 =	vld.idx.msk [tilespmem:v14+s21+$0x0], $0xffff;
	v4 =	vor.u32 v1, v4  }
0x58: {  	v5 =	vor.u32 v1, v5;
	v9 =	vld.idx.msk [tilespmem:v15+s21+$0x0], $0xffff  }
0x59: {  	v10 =	vld.idx.msk [tilespmem:v17+s21+$0x0], $0xffff;
	[tilespmem:s8+$0xFFFFFFC0] =	vst v16  }
0x5a: {  	s1 =	sadd.s32 $0x80, s1;
	v11 =	vld.idx.msk [tilespmem:v19+s21+$0x0], $0xffff;
	[tilespmem:s8+$0x10] =	vst v18  }
0x5b: {  	_ =	sdelay $0x2  }
0x5c: {  	[tilespmem:s8+$0x20] =	vst v8;
	s1 =	sadd.s32 $0x80, s8  }
0x5d: {  	v5 =	vld.idx.msk [tilespmem:v5+s21+$0x0], $0xffff;
	[tilespmem:s1+$0x30] =	vst v6  }
0x5e: {  	v3 =	vld.idx.msk [tilespmem:v3+s21+$0x0], $0xffff;
	[tilespmem:s1+$0xFFFFFFD0] =	vst v7  }
0x5f: {  	v4 =	vld.idx.msk [tilespmem:v4+s21+$0x0], $0xffff;
	[tilespmem:s1+$0xFFFFFFE0] =	vst v9  }
.Ltmp2:
0x60: {  	[tilespmem:s1+$0xFFFFFFF0] =	vst v10;
	(pc) =	sbr.rel .LBB2_8-.Ltmp2, $4  }
0x61: {  	[tilespmem:s1+$0x0] =	vst v11  }
0x62: {  	[tilespmem:s1+$0xFFFFFFC0] =	vst v5  }
0x63: {  	[tilespmem:s1+$0x10] =	vst v3  }
0x64: {  	[tilespmem:s1+$0x20] =	vst v4  }
.LBB2_5:
0x65: {  	s1 =	rddreg [dreg:$0x6];
	s8 =	simm.s32 $0x1A6A8  }
0x66: {  	[tilespmem:s8], [sflag:$0x4] =	stream.linear.gather [hbm4b:s1+s3], $0x2000, $0x38;
	[tilespmem:$0x1E770] =	vst v63  }
0x67: {  	_ =	swait.ge [sflag:s24], $0x18  }
0x68: {  	[sflag:s24] =	ssyncset.done $0x0  }
0x69: {  	[sflag:s24] =	ssyncadd.s32 $0xFFFFFFE8  }
0x6a: {  	_ =	swait.ge [sflag:s24], $0xB0  }
0x6b: {  	[sflag:s24] =	ssyncset.done $0x0  }
0x6c: {  	[sflag:s24] =	ssyncadd.s32 $0xFFFFFF50  }
0x6d: {  	_ =	swait.ge [sflag:s24], $0x2000  }
0x6e: {  	[sflag:s24] =	ssyncset.done $0x0  }
0x6f: {  	s8 =	simm.s32 $0x1A6E8;
	[sflag:s24] =	ssyncadd.s32 $0xFFFFE000  }
0x70: {  	v3 =	vld [tilespmem:s8+$0x30]  }
0x71: {  	v6 =	vld [tilespmem:s8+$0xFFFFFFF0]  }
0x72: {  	v7 =	vld [tilespmem:s8+$0x0]  }
0x73: {  	v4 =	vld [tilespmem:s8+$0xFFFFFFD0]  }
0x74: {  	v5 =	vld [tilespmem:s8+$0xFFFFFFE0]  }
0x75: {  	v8 =	vld [tilespmem:s8+$0x10]  }
0x76: {  	v9 =	vld [tilespmem:s8+$0x20];
	v6 =	vshll.u32 v6, $0x3  }
0x77: {  	s9 =	simm.s32 $0x1A768;
	v10 =	vld [tilespmem:s8+$0xFFFFFFC0];
	v7 =	vshll.u32 v7, $0x3;
	v6 =	vadd.s32 v0, v6  }
0x78: {  	v13 =	vld [tilespmem:s9+$0xFFFFFFE0];
	v7 =	vadd.s32 v0, v7  }
0x79: {  	v14 =	vld [tilespmem:s9+$0xFFFFFFF0]  }
0x7a: {  	v15 =	vld [tilespmem:s9+$0x0];
	v3 =	vshll.u32 v3, $0x3  }
0x7b: {  	v16 =	vld [tilespmem:s9+$0x10];
	v4 =	vshll.u32 v4, $0x3;
	v3 =	vadd.s32 v0, v3  }
0x7c: {  	v5 =	vshll.u32 v5, $0x3;
	v4 =	vadd.s32 v0, v4;
	v11 =	vld.idx.msk [tilespmem:v6+s22+$0x0], $0xffff  }
0x7d: {  	v5 =	vadd.s32 v0, v5;
	v12 =	vld.idx.msk [tilespmem:v7+s22+$0x0], $0xffff  }
0x7e: {  	v6 =	vld [tilespmem:s9+$0x30]  }
0x7f: {  	v10 =	vshll.u32 v10, $0x3;
	v7 =	vld [tilespmem:s9+$0xFFFFFFD0]  }
0x80: {  	v8 =	vshll.u32 v8, $0x3;
	v10 =	vadd.s32 v0, v10;
	v3 =	vld.idx.msk [tilespmem:v3+s22+$0x0], $0xffff  }
0x81: {  	v9 =	vshll.u32 v9, $0x3;
	v8 =	vadd.s32 v0, v8;
	v4 =	vld.idx.msk [tilespmem:v4+s22+$0x0], $0xffff  }
0x82: {  	v13 =	vshll.u32 v13, $0x3;
	v9 =	vadd.s32 v0, v9;
	v5 =	vld.idx.msk [tilespmem:v5+s22+$0x0], $0xffff  }
0x83: {  	v17 =	vld [tilespmem:s9+$0x20];
	v13 =	vadd.s32 v0, v13;
	v6 =	vshll.u32 v6, $0x3  }
0x84: {  	v18 =	vld [tilespmem:s9+$0xFFFFFFC0];
	s8 =	simm.s32 $0x1C6E8;
	v7 =	vshll.u32 v7, $0x3;
	v6 =	vadd.s32 v0, v6  }
0x85: {  	v14 =	vshll.u32 v14, $0x3;
	v19 =	vld.idx.msk [tilespmem:v10+s22+$0x0], $0xffff;
	[tilespmem:s8+$0x30] =	vst v3;
	v7 =	vadd.s32 v0, v7  }
0x86: {  	v10 =	vadd.s32 v0, v14;
	v63 =	vld.idx.msk [tilespmem:v8+s22+$0x0], $0xffff;
	v3 =	vshll.u32 v15, $0x3;
	[tilespmem:s8+$0xFFFFFFD0] =	vst v4  }
0x87: {  	v8 =	vld.idx.msk [tilespmem:v9+s22+$0x0], $0xffff;
	[tilespmem:s8+$0xFFFFFFE0] =	vst v5;
	v15 =	vadd.s32 v0, v3  }
0x88: {  	v9 =	vld.idx.msk [tilespmem:v13+s22+$0x0], $0xffff;
	[tilespmem:s8+$0xFFFFFFF0] =	vst v11  }
0x89: {  	[tilespmem:s8+$0x0] =	vst v12;
	v6 =	vld.idx.msk [tilespmem:v6+s22+$0x0], $0xffff  }
0x8a: {  	[tilespmem:s8+$0xFFFFFFC0] =	vst v19;
	v7 =	vld.idx.msk [tilespmem:v7+s22+$0x0], $0xffff  }
0x8b: {  	v4 =	vshll.u32 v17, $0x3;
	v5 =	vshll.u32 v18, $0x3;
	v10 =	vld.idx.msk [tilespmem:v10+s22+$0x0], $0xffff;
	[tilespmem:s8+$0x10] =	vst v63;
	v3 =	vshll.u32 v16, $0x3  }
0x8c: {  	s1 =	simm.s32 $0x1A7E8;
	s9 =	simm.s32 $0x8;
	v4 =	vadd.s32 v0, v4;
	v5 =	vadd.s32 v0, v5;
	v3 =	vadd.s32 v0, v3;
	v11 =	vld.idx.msk [tilespmem:v15+s22+$0x0], $0xffff  }
.LBB2_6:
0x8d: {  	v12 =	vld [tilespmem:s1+$0x30];
	s9 =	sadd.s32 $0x8, s9;
	[tilespmem:s8+$0x20] =	vst v8;
	s8 =	sadd.s32 $0x80, s8  }
0x8e: {  	v8 =	vld [tilespmem:s1+$0xFFFFFFD0];
	p1 =	slt.u32 s9, $0x1F8;
	[tilespmem:s8+$0x30] =	vst v6  }
0x8f: {  	v6 =	vld [tilespmem:s1+$0xFFFFFFE0];
	[tilespmem:s8+$0xFFFFFFD0] =	vst v7  }
0x90: {  	v7 =	vld [tilespmem:s1+$0xFFFFFFF0];
	[tilespmem:s8+$0xFFFFFFE0] =	vst v9  }
0x91: {  	v9 =	vld [tilespmem:s1+$0x0];
	[tilespmem:s8+$0xFFFFFFF0] =	vst v10  }
0x92: {  	v10 =	vld [tilespmem:s1+$0x10];
	v12 =	vshll.u32 v12, $0x3;
	[tilespmem:s8+$0x0] =	vst v11  }
0x93: {  	v8 =	vshll.u32 v8, $0x3;
	v11 =	vld [tilespmem:s1+$0x20];
	v12 =	vadd.s32 v0, v12  }
0x94: {  	v13 =	vld [tilespmem:s1+$0xFFFFFFC0];
	v14 =	vadd.s32 v0, v8;
	v6 =	vshll.u32 v6, $0x3  }
0x95: {  	v15 =	vadd.s32 v0, v6;
	v6 =	vshll.u32 v7, $0x3;
	v16 =	vld.idx.msk [tilespmem:v5+s22+$0x0], $0xffff  }
0x96: {  	v17 =	vadd.s32 v0, v6;
	v5 =	vshll.u32 v9, $0x3;
	v18 =	vld.idx.msk [tilespmem:v3+s22+$0x0], $0xffff  }
0x97: {  	v19 =	vadd.s32 v0, v5;
	v3 =	vshll.u32 v10, $0x3;
	v8 =	vld.idx.msk [tilespmem:v4+s22+$0x0], $0xffff  }
.Ltmp3:
0x98: {  	v3 =	vadd.s32 v0, v3;
	v4 =	vshll.u32 v11, $0x3;
	v6 =	vld.idx.msk [tilespmem:v12+s22+$0x0], $0xffff;
	(pc) =	sbr.rel @p1 .LBB2_6-.Ltmp3, $4  }
0x99: {  	v5 =	vshll.u32 v13, $0x3;
	v7 =	vld.idx.msk [tilespmem:v14+s22+$0x0], $0xffff;
	v4 =	vadd.s32 v0, v4  }
0x9a: {  	v5 =	vadd.s32 v0, v5;
	v9 =	vld.idx.msk [tilespmem:v15+s22+$0x0], $0xffff  }
0x9b: {  	v10 =	vld.idx.msk [tilespmem:v17+s22+$0x0], $0xffff;
	[tilespmem:s8+$0xFFFFFFC0] =	vst v16  }
0x9c: {  	s1 =	sadd.s32 $0x80, s1;
	v11 =	vld.idx.msk [tilespmem:v19+s22+$0x0], $0xffff;
	[tilespmem:s8+$0x10] =	vst v18  }
0x9d: {  	_ =	sdelay $0x2  }
0x9e: {  	[tilespmem:s8+$0x20] =	vst v8;
	s1 =	sadd.s32 $0x80, s8  }
0x9f: {  	v5 =	vld.idx.msk [tilespmem:v5+s22+$0x0], $0xffff;
	[tilespmem:s1+$0x30] =	vst v6  }
0xa0: {  	v3 =	vld.idx.msk [tilespmem:v3+s22+$0x0], $0xffff;
	[tilespmem:s1+$0xFFFFFFD0] =	vst v7  }
0xa1: {  	v4 =	vld.idx.msk [tilespmem:v4+s22+$0x0], $0xffff;
	[tilespmem:s1+$0xFFFFFFE0] =	vst v9  }
0xa2: {  	[tilespmem:s1+$0xFFFFFFF0] =	vst v10  }
0xa3: {  	[tilespmem:s1+$0x0] =	vst v11  }
0xa4: {  	[tilespmem:s1+$0xFFFFFFC0] =	vst v5  }
0xa5: {  	[tilespmem:s1+$0x10] =	vst v3  }
0xa6: {  	[tilespmem:s1+$0x20] =	vst v4  }
.LBB2_8:
0xa7: {  	[hbm4b:s10+s25] =	stream.strided.scatter [tilespmem:s28], [sflag:$0x5], $0x1000, s26, s25, $0x38;
	[tilespmem:$0x1E770] =	vst v63  }
0xa8: {  	_ = 	snop  }
0xa9: {  	[hbm4b:s11+s25] =	stream.strided.scatter [tilespmem:s29], [sflag:$0x5], $0x1000, s26, s25, $0x38;
	[tilespmem:$0x1E770] =	vst v63  }
0xaa: {  	_ =	swait.ge [sflag:s30], $0x186A8  }
0xab: {  	[sflag:s30] =	ssyncset.done $0x0  }
0xac: {  	[sflag:s30] =	ssyncadd.s32 $0xFFFE7958  }
0xad: {  	_ =	swait.ge [sflag:s31], $0x1000  }
0xae: {  	[sflag:s31] =	ssyncset.done $0x0  }
0xaf: {  	[sflag:s31] =	ssyncadd.s32 $0xFFFFF000  }
0xb0: {  	_ =	swait.ge [sflag:s2], $0x1000  }
0xb1: {  	[sflag:s2] =	ssyncset.done $0x0  }
0xb2: {  	s1 =	simm.s32 $0x186E8;
	[sflag:s2] =	ssyncadd.s32 $0xFFFFF000  }
0xb3: {  	v3 =	vld [tilespmem:s1+$0x30]  }
0xb4: {  	v4 =	vld [tilespmem:s1+$0xFFFFFFD0]  }
0xb5: {  	v5 =	vld [tilespmem:s1+$0xFFFFFFE0]  }
0xb6: {  	v6 =	vld [tilespmem:s1+$0xFFFFFFF0]  }
0xb7: {  	v7 =	vld [tilespmem:s1+$0x0]  }
0xb8: {  	v8 =	vld [tilespmem:s1+$0x10];
	v3 =	vadd.s32 v2, v3  }
0xb9: {  	v4 =	vadd.s32 v2, v4  }
0xba: {  	v5 =	vadd.s32 v2, v5  }
0xbb: {  	v9 =	vld [tilespmem:s1+$0x20];
	v6 =	vadd.s32 v2, v6  }
0xbc: {  	v11 =	vld [tilespmem:s1+$0xFFFFFFC0];
	v12 =	vadd.s32 v2, v7  }
0xbd: {  	v13 =	vadd.s32 v2, v8;
	v10 =	vld.idx.msk [tilespmem:v3+s3+$0x0], $0xffff  }
0xbe: {  	v7 =	vld.idx.msk [tilespmem:v4+s3+$0x0], $0xffff  }
0xbf: {  	v8 =	vld.idx.msk [tilespmem:v5+s3+$0x0], $0xffff  }
0xc0: {  	v6 =	vld.idx.msk [tilespmem:v6+s3+$0x0], $0xffff  }
0xc1: {  	v5 =	vld.idx.msk [tilespmem:v12+s3+$0x0], $0xffff  }
0xc2: {  	s8 =	simm.s32 $0x1C6E8;
	s9 =	simm.s32 $0x18768;
	s1 =	simm.s32 $0x0;
	v3 =	vadd.s32 v2, v9;
	v4 =	vadd.s32 v2, v11;
	v9 =	vld.idx.msk [tilespmem:v13+s3+$0x0], $0xffff  }
.LBB2_9:
0xc3: {  	v11 =	vld [tilespmem:s9+$0x30];
	s1 =	sadd.s32 $0x8, s1;
	[tilespmem:s8+$0x30] =	vst v10  }
0xc4: {  	v10 =	vld [tilespmem:s9+$0xFFFFFFD0];
	p1 =	slt.u32 s1, $0xF8;
	[tilespmem:s8+$0xFFFFFFD0] =	vst v7  }
0xc5: {  	v7 =	vld [tilespmem:s9+$0xFFFFFFE0];
	[tilespmem:s8+$0xFFFFFFE0] =	vst v8  }
0xc6: {  	v8 =	vld [tilespmem:s9+$0xFFFFFFF0];
	[tilespmem:s8+$0xFFFFFFF0] =	vst v6  }
0xc7: {  	v6 =	vld [tilespmem:s9+$0x0];
	[tilespmem:s8+$0x0] =	vst v5  }
0xc8: {  	v5 =	vld [tilespmem:s9+$0x10];
	v11 =	vadd.s32 v2, v11;
	[tilespmem:s8+$0x10] =	vst v9  }
0xc9: {  	v9 =	vadd.s32 v2, v10;
	v12 =	vld [tilespmem:s9+$0x20]  }
0xca: {  	v13 =	vld [tilespmem:s9+$0xFFFFFFC0];
	v14 =	vadd.s32 v2, v7  }
0xcb: {  	v15 =	vadd.s32 v2, v8;
	v16 =	vld.idx.msk [tilespmem:v4+s3+$0x0], $0xffff  }
0xcc: {  	v17 =	vadd.s32 v2, v6;
	v18 =	vld.idx.msk [tilespmem:v3+s3+$0x0], $0xffff  }
0xcd: {  	v19 =	vadd.s32 v2, v5;
	v10 =	vld.idx.msk [tilespmem:v11+s3+$0x0], $0xffff  }
.Ltmp4:
0xce: {  	v7 =	vld.idx.msk [tilespmem:v9+s3+$0x0], $0xffff;
	v3 =	vadd.s32 v2, v12;
	(pc) =	sbr.rel @p1 .LBB2_9-.Ltmp4, $4  }
0xcf: {  	v4 =	vadd.s32 v2, v13;
	v8 =	vld.idx.msk [tilespmem:v14+s3+$0x0], $0xffff  }
0xd0: {  	v6 =	vld.idx.msk [tilespmem:v15+s3+$0x0], $0xffff  }
0xd1: {  	v5 =	vld.idx.msk [tilespmem:v17+s3+$0x0], $0xffff;
	[tilespmem:s8+$0xFFFFFFC0] =	vst v16  }
0xd2: {  	s9 =	sadd.s32 $0x80, s9;
	v9 =	vld.idx.msk [tilespmem:v19+s3+$0x0], $0xffff;
	[tilespmem:s8+$0x20] =	vst v18;
	s8 =	sadd.s32 $0x80, s8  }
0xd3: {  	_ =	sdelay $0x2  }
0xd4: {  	[tilespmem:s8+$0x30] =	vst v10  }
0xd5: {  	[tilespmem:s8+$0xFFFFFFD0] =	vst v7;
	v4 =	vld.idx.msk [tilespmem:v4+s3+$0x0], $0xffff  }
0xd6: {  	v3 =	vld.idx.msk [tilespmem:v3+s3+$0x0], $0xffff;
	[tilespmem:s8+$0xFFFFFFE0] =	vst v8  }
0xd7: {  	[tilespmem:s8+$0xFFFFFFF0] =	vst v6  }
0xd8: {  	[tilespmem:s8+$0x0] =	vst v5  }
0xd9: {  	[tilespmem:s8+$0x10] =	vst v9  }
0xda: {  	[tilespmem:s8+$0xFFFFFFC0] =	vst v4  }
0xdb: {  	[tilespmem:s8+$0x20] =	vst v3  }
0xdc: {  	[hbm4b:s12+s25] =	stream.strided.scatter [tilespmem:s28], [sflag:$0x5], $0x1000, s26, s25, $0x38;
	[tilespmem:$0x1E770] =	vst v63  }
0xdd: {  	_ = 	snop  }
0xde: {  	[tilespmem:s19], [sflag:$0x2] =	stream.linear.gather [hbm4b:s13+s3], $0x1000, $0x38;
	[tilespmem:$0x1E770] =	vst v63  }
0xdf: {  	_ =	swait.ge [sflag:s0], $0x1000  }
0xe0: {  	[sflag:s0] =	ssyncset.done $0x0  }
0xe1: {  	[sflag:s0] =	ssyncadd.s32 $0xFFFFF000  }
0xe2: {  	_ =	swait.ge [sflag:s2], $0x1000  }
0xe3: {  	[sflag:s2] =	ssyncset.done $0x0  }
0xe4: {  	s1 =	simm.s32 $0x19718;
	[sflag:s2] =	ssyncadd.s32 $0xFFFFF000  }
0xe5: {  	v3 =	vld [tilespmem:s1+$0x0]  }
0xe6: {  	v4 =	vld [tilespmem:s1+$0xFFFFFFA0]  }
0xe7: {  	v5 =	vld [tilespmem:s1+$0xFFFFFFB0]  }
0xe8: {  	v6 =	vld [tilespmem:s1+$0xFFFFFFC0]  }
0xe9: {  	v7 =	vld [tilespmem:s1+$0xFFFFFFD0]  }
0xea: {  	v8 =	vld [tilespmem:s1+$0xFFFFFFE0];
	v3 =	vadd.s32 v2, v3  }
0xeb: {  	v4 =	vadd.s32 v2, v4  }
0xec: {  	v5 =	vadd.s32 v2, v5  }
0xed: {  	v9 =	vld [tilespmem:s1+$0xFFFFFFF0];
	v6 =	vadd.s32 v2, v6  }
0xee: {  	v11 =	vld [tilespmem:s1+$0xFFFFFF90];
	v12 =	vadd.s32 v2, v7  }
0xef: {  	v13 =	vadd.s32 v2, v8;
	v10 =	vld.idx.msk [tilespmem:v3+s3+$0x0], $0xffff  }
0xf0: {  	v7 =	vld.idx.msk [tilespmem:v4+s3+$0x0], $0xffff  }
0xf1: {  	v8 =	vld.idx.msk [tilespmem:v5+s3+$0x0], $0xffff  }
0xf2: {  	v6 =	vld.idx.msk [tilespmem:v6+s3+$0x0], $0xffff  }
0xf3: {  	v5 =	vld.idx.msk [tilespmem:v12+s3+$0x0], $0xffff  }
0xf4: {  	s9 =	simm.s32 $0x19798;
	s8 =	simm.s32 $0x1D718;
	s1 =	simm.s32 $0x0;
	v3 =	vadd.s32 v2, v9;
	v4 =	vadd.s32 v2, v11;
	v9 =	vld.idx.msk [tilespmem:v13+s3+$0x0], $0xffff  }
.LBB2_11:
0xf5: {  	v11 =	vld [tilespmem:s9+$0x0];
	s1 =	sadd.s32 $0x8, s1;
	[tilespmem:s8+$0x0] =	vst v10  }
0xf6: {  	v10 =	vld [tilespmem:s9+$0xFFFFFFA0];
	p1 =	slt.u32 s1, $0xF8;
	[tilespmem:s8+$0xFFFFFFA0] =	vst v7  }
0xf7: {  	v7 =	vld [tilespmem:s9+$0xFFFFFFB0];
	[tilespmem:s8+$0xFFFFFFB0] =	vst v8  }
0xf8: {  	v8 =	vld [tilespmem:s9+$0xFFFFFFC0];
	[tilespmem:s8+$0xFFFFFFC0] =	vst v6  }
0xf9: {  	v6 =	vld [tilespmem:s9+$0xFFFFFFD0];
	[tilespmem:s8+$0xFFFFFFD0] =	vst v5  }
0xfa: {  	v5 =	vld [tilespmem:s9+$0xFFFFFFE0];
	v11 =	vadd.s32 v2, v11;
	[tilespmem:s8+$0xFFFFFFE0] =	vst v9  }
0xfb: {  	v9 =	vadd.s32 v2, v10;
	v12 =	vld [tilespmem:s9+$0xFFFFFFF0]  }
0xfc: {  	v13 =	vld [tilespmem:s9+$0xFFFFFF90];
	v14 =	vadd.s32 v2, v7  }
0xfd: {  	v15 =	vadd.s32 v2, v8;
	v16 =	vld.idx.msk [tilespmem:v4+s3+$0x0], $0xffff  }
0xfe: {  	v17 =	vadd.s32 v2, v6;
	v18 =	vld.idx.msk [tilespmem:v3+s3+$0x0], $0xffff  }
0xff: {  	v19 =	vadd.s32 v2, v5;
	v10 =	vld.idx.msk [tilespmem:v11+s3+$0x0], $0xffff  }
.Ltmp5:
0x100: {  	v7 =	vld.idx.msk [tilespmem:v9+s3+$0x0], $0xffff;
	v3 =	vadd.s32 v2, v12;
	(pc) =	sbr.rel @p1 .LBB2_11-.Ltmp5, $4  }
0x101: {  	v4 =	vadd.s32 v2, v13;
	v8 =	vld.idx.msk [tilespmem:v14+s3+$0x0], $0xffff  }
0x102: {  	v6 =	vld.idx.msk [tilespmem:v15+s3+$0x0], $0xffff  }
0x103: {  	v5 =	vld.idx.msk [tilespmem:v17+s3+$0x0], $0xffff;
	[tilespmem:s8+$0xFFFFFF90] =	vst v16  }
0x104: {  	s9 =	sadd.s32 $0x80, s9;
	v9 =	vld.idx.msk [tilespmem:v19+s3+$0x0], $0xffff;
	[tilespmem:s8+$0xFFFFFFF0] =	vst v18;
	s8 =	sadd.s32 $0x80, s8  }
0x105: {  	_ =	sdelay $0x2  }
0x106: {  	[tilespmem:s8+$0x0] =	vst v10  }
0x107: {  	[tilespmem:s8+$0xFFFFFFA0] =	vst v7;
	v4 =	vld.idx.msk [tilespmem:v4+s3+$0x0], $0xffff  }
0x108: {  	v3 =	vld.idx.msk [tilespmem:v3+s3+$0x0], $0xffff;
	[tilespmem:s8+$0xFFFFFFB0] =	vst v8  }
0x109: {  	[tilespmem:s8+$0xFFFFFFC0] =	vst v6  }
0x10a: {  	[tilespmem:s8+$0xFFFFFFD0] =	vst v5  }
0x10b: {  	[tilespmem:s8+$0xFFFFFFE0] =	vst v9  }
0x10c: {  	[tilespmem:s8+$0xFFFFFF90] =	vst v4  }
0x10d: {  	[tilespmem:s8+$0xFFFFFFF0] =	vst v3  }
0x10e: {  	[hbm4b:s14+s25] =	stream.strided.scatter [tilespmem:s29], [sflag:$0x5], $0x1000, s26, s25, $0x38;
	[tilespmem:$0x1E770] =	vst v63  }
0x10f: {  	_ = 	snop  }
0x110: {  	[tilespmem:s20], [sflag:$0x3] =	stream.linear.gather [hbm4b:s15+s3], $0x1000, $0x38;
	[tilespmem:$0x1E770] =	vst v63  }
0x111: {  	_ =	swait.ge [sflag:s31], $0x1000  }
0x112: {  	[sflag:s31] =	ssyncset.done $0x0  }
0x113: {  	[sflag:s31] =	ssyncadd.s32 $0xFFFFF000  }
0x114: {  	_ =	swait.ge [sflag:s2], $0x1000  }
0x115: {  	[sflag:s2] =	ssyncset.done $0x0  }
0x116: {  	s1 =	simm.s32 $0x186E8;
	[sflag:s2] =	ssyncadd.s32 $0xFFFFF000  }
0x117: {  	v3 =	vld [tilespmem:s1+$0x30]  }
0x118: {  	v4 =	vld [tilespmem:s1+$0xFFFFFFD0]  }
0x119: {  	v5 =	vld [tilespmem:s1+$0xFFFFFFE0]  }
0x11a: {  	v6 =	vld [tilespmem:s1+$0xFFFFFFF0]  }
0x11b: {  	v7 =	vld [tilespmem:s1+$0x0]  }
0x11c: {  	v8 =	vld [tilespmem:s1+$0x10];
	v3 =	vadd.s32 v2, v3  }
0x11d: {  	v4 =	vadd.s32 v2, v4  }
0x11e: {  	v5 =	vadd.s32 v2, v5  }
0x11f: {  	v9 =	vld [tilespmem:s1+$0x20];
	v6 =	vadd.s32 v2, v6  }
0x120: {  	v11 =	vld [tilespmem:s1+$0xFFFFFFC0];
	v12 =	vadd.s32 v2, v7  }
0x121: {  	v13 =	vadd.s32 v2, v8;
	v10 =	vld.idx.msk [tilespmem:v3+s3+$0x0], $0xffff  }
0x122: {  	v7 =	vld.idx.msk [tilespmem:v4+s3+$0x0], $0xffff  }
0x123: {  	v8 =	vld.idx.msk [tilespmem:v5+s3+$0x0], $0xffff  }
0x124: {  	v6 =	vld.idx.msk [tilespmem:v6+s3+$0x0], $0xffff  }
0x125: {  	v5 =	vld.idx.msk [tilespmem:v12+s3+$0x0], $0xffff  }
0x126: {  	s9 =	simm.s32 $0x18768;
	s8 =	simm.s32 $0x1C6E8;
	s1 =	simm.s32 $0x0;
	v3 =	vadd.s32 v2, v9;
	v4 =	vadd.s32 v2, v11;
	v9 =	vld.idx.msk [tilespmem:v13+s3+$0x0], $0xffff  }
.LBB2_13:
0x127: {  	v11 =	vld [tilespmem:s9+$0x30];
	s1 =	sadd.s32 $0x8, s1;
	[tilespmem:s8+$0x30] =	vst v10  }
0x128: {  	v10 =	vld [tilespmem:s9+$0xFFFFFFD0];
	p1 =	slt.u32 s1, $0xF8;
	[tilespmem:s8+$0xFFFFFFD0] =	vst v7  }
0x129: {  	v7 =	vld [tilespmem:s9+$0xFFFFFFE0];
	[tilespmem:s8+$0xFFFFFFE0] =	vst v8  }
0x12a: {  	v8 =	vld [tilespmem:s9+$0xFFFFFFF0];
	[tilespmem:s8+$0xFFFFFFF0] =	vst v6  }
0x12b: {  	v6 =	vld [tilespmem:s9+$0x0];
	[tilespmem:s8+$0x0] =	vst v5  }
0x12c: {  	v5 =	vld [tilespmem:s9+$0x10];
	v11 =	vadd.s32 v2, v11;
	[tilespmem:s8+$0x10] =	vst v9  }
0x12d: {  	v9 =	vadd.s32 v2, v10;
	v12 =	vld [tilespmem:s9+$0x20]  }
0x12e: {  	v13 =	vld [tilespmem:s9+$0xFFFFFFC0];
	v14 =	vadd.s32 v2, v7  }
0x12f: {  	v15 =	vadd.s32 v2, v8;
	v16 =	vld.idx.msk [tilespmem:v4+s3+$0x0], $0xffff  }
0x130: {  	v17 =	vadd.s32 v2, v6;
	v18 =	vld.idx.msk [tilespmem:v3+s3+$0x0], $0xffff  }
0x131: {  	v19 =	vadd.s32 v2, v5;
	v10 =	vld.idx.msk [tilespmem:v11+s3+$0x0], $0xffff  }
.Ltmp6:
0x132: {  	v7 =	vld.idx.msk [tilespmem:v9+s3+$0x0], $0xffff;
	v3 =	vadd.s32 v2, v12;
	(pc) =	sbr.rel @p1 .LBB2_13-.Ltmp6, $4  }
0x133: {  	v4 =	vadd.s32 v2, v13;
	v8 =	vld.idx.msk [tilespmem:v14+s3+$0x0], $0xffff  }
0x134: {  	v6 =	vld.idx.msk [tilespmem:v15+s3+$0x0], $0xffff  }
0x135: {  	v5 =	vld.idx.msk [tilespmem:v17+s3+$0x0], $0xffff;
	[tilespmem:s8+$0xFFFFFFC0] =	vst v16  }
0x136: {  	s9 =	sadd.s32 $0x80, s9;
	v9 =	vld.idx.msk [tilespmem:v19+s3+$0x0], $0xffff;
	[tilespmem:s8+$0x20] =	vst v18;
	s8 =	sadd.s32 $0x80, s8  }
0x137: {  	_ =	sdelay $0x2  }
0x138: {  	[tilespmem:s8+$0x30] =	vst v10  }
0x139: {  	[tilespmem:s8+$0xFFFFFFD0] =	vst v7;
	v4 =	vld.idx.msk [tilespmem:v4+s3+$0x0], $0xffff  }
0x13a: {  	v3 =	vld.idx.msk [tilespmem:v3+s3+$0x0], $0xffff;
	[tilespmem:s8+$0xFFFFFFE0] =	vst v8  }
0x13b: {  	[tilespmem:s8+$0xFFFFFFF0] =	vst v6  }
0x13c: {  	[tilespmem:s8+$0x0] =	vst v5  }
0x13d: {  	[tilespmem:s8+$0x10] =	vst v9  }
0x13e: {  	[tilespmem:s8+$0xFFFFFFC0] =	vst v4  }
0x13f: {  	[tilespmem:s8+$0x20] =	vst v3  }
0x140: {  	[hbm4b:s16+s25] =	stream.strided.scatter [tilespmem:s28], [sflag:$0x5], $0x1000, s26, s25, $0x38;
	[tilespmem:$0x1E770] =	vst v63  }
0x141: {  	_ =	swait.ge [sflag:s0], $0x1000  }
0x142: {  	[sflag:s0] =	ssyncset.done $0x0  }
0x143: {  	[sflag:s0] =	ssyncadd.s32 $0xFFFFF000  }
0x144: {  	_ =	swait.ge [sflag:s2], $0x1000  }
0x145: {  	[sflag:s2] =	ssyncset.done $0x0  }
0x146: {  	s1 =	simm.s32 $0x19718;
	[sflag:s2] =	ssyncadd.s32 $0xFFFFF000  }
0x147: {  	v3 =	vld [tilespmem:s1+$0x0]  }
0x148: {  	v4 =	vld [tilespmem:s1+$0xFFFFFFA0]  }
0x149: {  	v5 =	vld [tilespmem:s1+$0xFFFFFFB0]  }
0x14a: {  	v6 =	vld [tilespmem:s1+$0xFFFFFFC0]  }
0x14b: {  	v7 =	vld [tilespmem:s1+$0xFFFFFFD0]  }
0x14c: {  	v8 =	vld [tilespmem:s1+$0xFFFFFFE0];
	v3 =	vadd.s32 v2, v3  }
0x14d: {  	v4 =	vadd.s32 v2, v4  }
0x14e: {  	v5 =	vadd.s32 v2, v5  }
0x14f: {  	v9 =	vld [tilespmem:s1+$0xFFFFFFF0];
	v6 =	vadd.s32 v2, v6  }
0x150: {  	v11 =	vld [tilespmem:s1+$0xFFFFFF90];
	v12 =	vadd.s32 v2, v7  }
0x151: {  	v13 =	vadd.s32 v2, v8;
	v10 =	vld.idx.msk [tilespmem:v3+s3+$0x0], $0xffff  }
0x152: {  	v7 =	vld.idx.msk [tilespmem:v4+s3+$0x0], $0xffff  }
0x153: {  	v8 =	vld.idx.msk [tilespmem:v5+s3+$0x0], $0xffff  }
0x154: {  	v6 =	vld.idx.msk [tilespmem:v6+s3+$0x0], $0xffff  }
0x155: {  	v5 =	vld.idx.msk [tilespmem:v12+s3+$0x0], $0xffff  }
0x156: {  	s9 =	simm.s32 $0x19798;
	s8 =	simm.s32 $0x1D718;
	s1 =	simm.s32 $0x0;
	v3 =	vadd.s32 v2, v9;
	v4 =	vadd.s32 v2, v11;
	v9 =	vld.idx.msk [tilespmem:v13+s3+$0x0], $0xffff  }
.LBB2_15:
0x157: {  	v11 =	vld [tilespmem:s9+$0x0];
	s1 =	sadd.s32 $0x8, s1;
	[tilespmem:s8+$0x0] =	vst v10  }
0x158: {  	v10 =	vld [tilespmem:s9+$0xFFFFFFA0];
	p1 =	slt.u32 s1, $0xF8;
	[tilespmem:s8+$0xFFFFFFA0] =	vst v7  }
0x159: {  	v7 =	vld [tilespmem:s9+$0xFFFFFFB0];
	[tilespmem:s8+$0xFFFFFFB0] =	vst v8  }
0x15a: {  	v8 =	vld [tilespmem:s9+$0xFFFFFFC0];
	[tilespmem:s8+$0xFFFFFFC0] =	vst v6  }
0x15b: {  	v6 =	vld [tilespmem:s9+$0xFFFFFFD0];
	[tilespmem:s8+$0xFFFFFFD0] =	vst v5  }
0x15c: {  	v5 =	vld [tilespmem:s9+$0xFFFFFFE0];
	v11 =	vadd.s32 v2, v11;
	[tilespmem:s8+$0xFFFFFFE0] =	vst v9  }
0x15d: {  	v9 =	vadd.s32 v2, v10;
	v12 =	vld [tilespmem:s9+$0xFFFFFFF0]  }
0x15e: {  	v13 =	vld [tilespmem:s9+$0xFFFFFF90];
	v14 =	vadd.s32 v2, v7  }
0x15f: {  	v15 =	vadd.s32 v2, v8;
	v16 =	vld.idx.msk [tilespmem:v4+s3+$0x0], $0xffff  }
0x160: {  	v17 =	vadd.s32 v2, v6;
	v18 =	vld.idx.msk [tilespmem:v3+s3+$0x0], $0xffff  }
0x161: {  	v19 =	vadd.s32 v2, v5;
	v10 =	vld.idx.msk [tilespmem:v11+s3+$0x0], $0xffff  }
.Ltmp7:
0x162: {  	v7 =	vld.idx.msk [tilespmem:v9+s3+$0x0], $0xffff;
	v3 =	vadd.s32 v2, v12;
	(pc) =	sbr.rel @p1 .LBB2_15-.Ltmp7, $4  }
0x163: {  	v4 =	vadd.s32 v2, v13;
	v8 =	vld.idx.msk [tilespmem:v14+s3+$0x0], $0xffff  }
0x164: {  	v6 =	vld.idx.msk [tilespmem:v15+s3+$0x0], $0xffff  }
0x165: {  	v5 =	vld.idx.msk [tilespmem:v17+s3+$0x0], $0xffff;
	[tilespmem:s8+$0xFFFFFF90] =	vst v16  }
0x166: {  	s9 =	sadd.s32 $0x80, s9;
	v9 =	vld.idx.msk [tilespmem:v19+s3+$0x0], $0xffff;
	[tilespmem:s8+$0xFFFFFFF0] =	vst v18;
	s8 =	sadd.s32 $0x80, s8  }
0x167: {  	_ =	sdelay $0x2  }
0x168: {  	[tilespmem:s8+$0x0] =	vst v10  }
0x169: {  	[tilespmem:s8+$0xFFFFFFA0] =	vst v7;
	v4 =	vld.idx.msk [tilespmem:v4+s3+$0x0], $0xffff  }
0x16a: {  	v3 =	vld.idx.msk [tilespmem:v3+s3+$0x0], $0xffff;
	[tilespmem:s8+$0xFFFFFFB0] =	vst v8  }
0x16b: {  	[tilespmem:s8+$0xFFFFFFC0] =	vst v6  }
0x16c: {  	[tilespmem:s8+$0xFFFFFFD0] =	vst v5  }
0x16d: {  	[tilespmem:s8+$0xFFFFFFE0] =	vst v9  }
0x16e: {  	[tilespmem:s8+$0xFFFFFF90] =	vst v4  }
0x16f: {  	s23 =	sadd.s32 $0x1, s23;
	[tilespmem:s8+$0xFFFFFFF0] =	vst v3  }
0x170: {  	[hbm4b:s17+s25] =	stream.strided.scatter [tilespmem:s29], [sflag:$0x5], $0x1000, s26, s25, $0x38;
	[tilespmem:$0x1E770] =	vst v63  }
0x171: {  	p1 =	sne.s32 s23, s18;
	_ =	swait.ge [sflag:s2], $0x1000  }
.Ltmp8:
0x172: {  	[sflag:s2] =	ssyncset.done $0x0;
	(pc) =	sbr.rel @p1 .LBB2_1-.Ltmp8, $4  }
0x173: {  	[sflag:s2] =	ssyncadd.s32 $0xFFFFF000  }
0x174: {  	_ =	swait.ge [sflag:s2], $0x1000  }
0x175: {  	[sflag:s2] =	ssyncset.done $0x0  }
0x176: {  	[sflag:s2] =	ssyncadd.s32 $0xFFFFF000  }
0x177: {  	_ =	sfence.sel $0x180000  }
0x178: {  	[bflag:$0x0] =	sbarrier.arrive $0xFFFF  }
0x179: {  	_ =	strace $0x90000047  }
0x17a: {  	s0 =	stileid.u32;
	[bflag:$0x2] =	sbarrier.arrive $0xFFFF  }
0x17b: {  	p0 =	sne.s32 s0, $0x0;
	s0 =	rddreg [dreg:$0x5]  }
0x17c: {  	s0 =	sadd.s32 @!p0 $0x100000, s0  }
0x17d: {  	[sflag:s0] =	ssyncadd.tile.s32 @!p0 $0x1;
	_ =	shalt  }
.Lfunc_end2:
_tile_overlayer_lowered:
.L_overlay_start_2:
0x17e: {  	(tag) =	ssettag $0x2  }
0x17f: {  	s0 =	rddreg [dreg:$0x0];
	s2 =	stileid.u32  }
0x180: {  	s1 =	rddreg [dreg:$0x1];
	p0 =	sne.s32 s2, $0x0  }
0x181: {  	s3 =	rddreg [dreg:$0x2];
	[bflag:$0x3] =	sbarrier.arrive $0xFFFF;
	s2 =	simm.s32 @!p0 $0x1C06  }
0x182: {  	[timem:s3], [sflag:s2] =	dma.local @!p0 [hbm:s0], s1  }
0x183: {  	s0 =	simm.s32 @!p0 $0x6  }
0x184: {  	_ =	swait.ge @!p0 [sflag:s0], s1  }
0x185: {  	s1 =	ssub.s32 @!p0 $0x0, s1;
	[sflag:s0] =	ssyncset.done @!p0 $0x0  }
0x186: {  	[sflag:s0] =	ssyncadd.s32 @!p0 s1  }
0x187: {  	[bflag:$0x3] =	sbarrier.arrive $0xFFFF  }
0x188: {  	_ =	shalt  }

</sc_bundles>
